<compile_context>
chip_gen: v7x
topology: tpu7x:2x2x1
jax: 0.10.2.dev20260603
libtpu: 0.0.44.dev20260713+nightly
codegen_flags: <defaults>
</compile_context>

<pallas_src>
import jax
import jax.numpy as jnp
from jax import lax
from jax.experimental import pallas as pl
from jax.experimental.pallas import tpu as pltpu
from jax.experimental.pallas import tpu_sc as plsc

_B = 64
_V = 1_000_000
_LANES = 16
_CW = 128
_NCHUNK = _B * _V // _CW
_VB = 16384
_NBLK = (_V + _VB - 1) // _VB
_LASTW = _V - (_NBLK - 1) * _VB


_TAIL = (_V // _CW) * _CW
_TAILW = _V - _TAIL


def _sc_gather_body(x_hbm, cls_hbm, out_hbm, tail_hbm, cls_v, rows_v, tail_v,
                    sem):
    wid = lax.axis_index("s") * 2 + lax.axis_index("c")

    @pl.when(wid < _B // _LANES)
    def _():
        base = wid * _LANES
        pltpu.sync_copy(cls_hbm.at[pl.ds(base, _LANES)], cls_v)
        starts = jnp.minimum((cls_v[...] >> 7) << 7, _TAIL - _CW)
        descs = []
        for i in range(_LANES):
            rstart = pl.multiple_of(base + (i // 8) * 8, 8)
            cstart = pl.multiple_of(starts[i], _CW)
            descs.append(pltpu.async_copy(
                x_hbm.at[pl.ds(rstart, 8), pl.ds(cstart, _CW)],
                rows_v.at[i], sem))
        for d in descs:
            d.wait()
        pltpu.sync_copy(rows_v, out_hbm.at[pl.ds(base, _LANES)])
        pltpu.sync_copy(x_hbm.at[pl.ds(base, _LANES), pl.ds(_TAIL, _TAILW)],
                        tail_v)
        pltpu.sync_copy(tail_v, tail_hbm.at[pl.ds(base, _LANES)])


def _sc_gather(x, cls):
    mesh = plsc.VectorSubcoreMesh(core_axis_name="c", subcore_axis_name="s")
    return pl.kernel(
        _sc_gather_body,
        mesh=mesh,
        out_type=(jax.ShapeDtypeStruct((_B, 8, _CW), jnp.float32),
                  jax.ShapeDtypeStruct((_B, _TAILW), jnp.float32)),
        scratch_types=[
            pltpu.VMEM((_LANES,), jnp.int32),
            pltpu.VMEM((_LANES, 8, _CW), jnp.float32),
            pltpu.VMEM((_LANES, _TAILW), jnp.float32),
            pltpu.SemaphoreType.DMA,
        ],
    )(x, cls)


def _count_body(rows_ref, tail_ref, cls_ref, x_ref, top1_ref, top5_ref,
                acc_ref, xc_ref, xclo_ref, lane_ref):
    i = pl.program_id(0)
    c = cls_ref[...]

    @pl.when(i == 0)
    def _():
        acc_ref[...] = jnp.zeros_like(acc_ref)
        lane_ref[...] = lax.broadcasted_iota(jnp.int32, (_B, _VB), 1)
        c3 = c.reshape(_B, 1, 1)
        brow3 = lax.broadcasted_iota(jnp.int32, (_B, 8, _CW), 0)
        sub3 = lax.broadcasted_iota(jnp.int32, (_B, 8, _CW), 1)
        lane3 = lax.broadcasted_iota(jnp.int32, (_B, 8, _CW), 2)
        hot = (sub3 == (brow3 & 7)) & (lane3 == (c3 & (_CW - 1)))
        xc_slab = jnp.sum(jnp.where(hot, rows_ref[...], 0.0), axis=(1, 2))
        hot_t = lax.broadcasted_iota(jnp.int32, (_B, _TAILW), 1) == (c - _TAIL)
        xc_tail = jnp.sum(jnp.where(hot_t, tail_ref[...], 0.0), axis=1)
        xc = jnp.where(c[:, 0] >= _TAIL, xc_tail, xc_slab).reshape(_B, 1)
        xc_ref[...] = xc
        b = lax.bitcast_convert_type(xc, jnp.int32)
        lo = jnp.where(b > 0, b - 1,
                       jnp.where(b == 0, jnp.int32(-2147483647), b + 1))
        xclo_ref[...] = lax.bitcast_convert_type(lo, jnp.float32)

    vals = x_ref[...]
    xc = xc_ref[...]
    xclo = xclo_ref[...]
    lanes = lane_ref[...]
    thr = jnp.where(lanes < (c - i * _VB), xclo, xc)

    @pl.when(i < _NBLK - 1)
    def _():
        acc_ref[...] = acc_ref[...] + (vals > thr).astype(jnp.int32)

    @pl.when(i == _NBLK - 1)
    def _():
        thr2 = jnp.where(lanes < _LASTW, thr, jnp.float32(jnp.inf))
        acc_ref[...] = acc_ref[...] + (vals > thr2).astype(jnp.int32)
        rank = jnp.sum(acc_ref[...], axis=1, keepdims=True)
        top1_ref[...] = jnp.sum((rank == 0).astype(jnp.int32), keepdims=True)
        top5_ref[...] = jnp.sum((rank < 5).astype(jnp.int32), keepdims=True)


def _tc_count(x, rows, tail, cls):
    return pl.pallas_call(
        _count_body,
        grid=(_NBLK,),
        in_specs=[
            pl.BlockSpec((_B, 8, _CW), lambda i: (0, 0, 0)),
            pl.BlockSpec((_B, _TAILW), lambda i: (0, 0)),
            pl.BlockSpec((_B, 1), lambda i: (0, 0)),
            pl.BlockSpec((_B, _VB), lambda i: (0, i)),
        ],
        out_specs=[
            pl.BlockSpec((1, 1), lambda i: (0, 0)),
            pl.BlockSpec((1, 1), lambda i: (0, 0)),
        ],
        out_shape=[
            jax.ShapeDtypeStruct((1, 1), jnp.int32),
            jax.ShapeDtypeStruct((1, 1), jnp.int32),
        ],
        scratch_shapes=[
            pltpu.VMEM((_B, _VB), jnp.int32),
            pltpu.VMEM((_B, 1), jnp.float32),
            pltpu.VMEM((_B, 1), jnp.float32),
            pltpu.VMEM((_B, _VB), jnp.int32),
        ],
        compiler_params=pltpu.CompilerParams(
            dimension_semantics=("arbitrary",)),
    )(rows, tail, cls, x)


def kernel(x, classes):
    cls = classes.astype(jnp.int32).reshape(_B)
    rows, tail = _sc_gather(x, cls)
    top1, top5 = _tc_count(x, rows, tail, cls.reshape(_B, 1))
    return top1[0, 0], top5[0, 0]

# --- scband reference (transcript-rebuilt; emitter-appended) ---
"""Pipeline reference for scband-classification-9320079032815 (READ-ONLY COPY).

The authoritative reference and input builder live on the scoring server;
editing this copy changes nothing except your own understanding.
"""

import jax, jax.numpy as jnp
import numpy as np

B = 64
V = 1000000

def setup_inputs(seed: int = 0) -> dict:
    key = jax.random.key(seed)
    kx, kc = jax.random.split(key)
    x = jax.random.normal(kx, (B, V), dtype=jnp.float32)
    classes = jax.random.randint(kc, (B, 1), 0, V, dtype=jnp.int64)
    return {"x": x, "classes": classes}

def reference(x, classes):
    probs = jax.nn.softmax(x, axis=-1)
    top_prob, top_catid = jax.lax.top_k(probs, 5)
    top_catid = top_catid.astype(classes.dtype)
    top1 = (top_catid[:, :1] == classes).sum()
    top5 = (top_catid == classes).sum()
    return (top1, top5)

if __name__ == "__main__":
    import jax
    _d = setup_inputs()
    print(jax.jit(kernel)(*tuple(_d.values())))

</pallas_src>

<mosaic_0001>
#map = affine_map<(d0, d1) -> (0, 0)>
#map1 = affine_map<(d0, d1) -> (0)>
#map2 = affine_map<(d0, d1) -> (0, 0, 0)>
module attributes {stable_mosaic.version = 14 : i64} {
  func.func @_sc_gather_body(%arg0: i32, %arg1: i32, %arg2: memref<64x1000000xf32, #tpu.memory_space<hbm>>, %arg3: memref<64xi32, #tpu.memory_space<hbm>>, %arg4: memref<64x8x128xf32, #tpu.memory_space<hbm>>, %arg5: memref<64x64xf32, #tpu.memory_space<hbm>>, %arg6: memref<16xi32, #tpu.memory_space<vmem>>, %arg7: memref<16x8x128xf32, #tpu.memory_space<vmem>>, %arg8: memref<16x64xf32, #tpu.memory_space<vmem>>, %arg9: memref<!tpu.dma_semaphore, #tpu.memory_space<semaphore_mem>>) attributes {dimension_semantics = [#tpu.dimension_semantics<core_parallel>, #tpu.dimension_semantics<subcore_parallel>], iteration_bounds = array<i64: 2, 16>, scalar_prefetch = 0 : i64, scratch_operands = 4 : i64, tpu.core_type = #tpu.core_type<sc_vector_subcore>, window_params = [{transform_indices = #map}, {transform_indices = #map1}, {transform_indices = #map2}, {transform_indices = #map}]} {
    %mul3A = arith.constant 2 : i32
    %mul3A_0 = arith.muli %arg1, %mul3A : i32
    %add3A = arith.addi %mul3A_0, %arg0 : i32
    %lt3A = arith.constant 4 : i32
    %lt3A_1 = arith.cmpi slt, %add3A, %lt3A : i32
    %convert_element_type3A = arith.extui %lt3A_1 : i1 to i32
    %cond3A = arith.constant 0 : i32
    %cond3A_2 = arith.cmpi ne, %convert_element_type3A, %cond3A : i32
    scf.if %cond3A_2 {
      %mul3A_3 = arith.constant 16 : i32
      %mul3A_4 = arith.muli %add3A, %mul3A_3 : i32
      "tpu.region"() ({
        %run_scoped3A = tpu.sem_alloc : memref<!tpu.dma_semaphore, #tpu.memory_space<semaphore_mem>>
        %dma_start3A_456 = tpu.memref_slice %arg3[%mul3A_4] : memref<64xi32, #tpu.memory_space<hbm>> -> memref<16xi32, #tpu.memory_space<hbm>>
        %dma_start3A_457 = tpu.memref_slice %arg3[%mul3A_4] : memref<64xi32, #tpu.memory_space<hbm>> -> memref<16xi32, #tpu.memory_space<hbm>>
        tpu.enqueue_dma source(%dma_start3A_457 : memref<16xi32, #tpu.memory_space<hbm>>) target(%arg6 : memref<16xi32, #tpu.memory_space<vmem>>) target_semaphore(%run_scoped3A : memref<!tpu.dma_semaphore, #tpu.memory_space<semaphore_mem>>)
        %dma_wait3A_458 = tpu.memref_slice %arg3[%mul3A_4] : memref<64xi32, #tpu.memory_space<hbm>> -> memref<16xi32, #tpu.memory_space<hbm>>
        %dma_wait3A_459 = tpu.memref_slice %arg3[%mul3A_4] : memref<64xi32, #tpu.memory_space<hbm>> -> memref<16xi32, #tpu.memory_space<hbm>>
        tpu.wait_dma2 semaphore(%run_scoped3A : memref<!tpu.dma_semaphore, #tpu.memory_space<semaphore_mem>>) src(%dma_wait3A_459 : memref<16xi32, #tpu.memory_space<hbm>>) dst(%arg6 : memref<16xi32, #tpu.memory_space<vmem>>)
        tpu.yield
      }) : () -> ()
      %get3A = arith.constant 0 : index
      %get3A_5 = tpu.vector_load %arg6[%get3A] {strides = array<i32>} : memref<16xi32, #tpu.memory_space<vmem>>, vector<16xi32>,
      %get3A_6 = vector.shape_cast %get3A_5 : vector<16xi32> to vector<16xi32>
      %shift_right_arithmetic3A = arith.constant 7 : i32
      %shift_right_arithmetic3A_7 = vector.broadcast %shift_right_arithmetic3A : i32 to vector<16xi32>
      %shift_right_arithmetic3A_8 = arith.shrsi %get3A_6, %shift_right_arithmetic3A_7 : vector<16xi32>
      %shift_left3A = arith.constant 7 : i32
      %shift_left3A_9 = vector.broadcast %shift_left3A : i32 to vector<16xi32>
      %shift_left3A_10 = arith.shli %shift_right_arithmetic3A_8, %shift_left3A_9 : vector<16xi32>
      %min3A = arith.constant 999808 : i32
      %min3A_11 = vector.broadcast %min3A : i32 to vector<16xi32>
      %min3A_12 = arith.minsi %shift_left3A_10, %min3A_11 : vector<16xi32>
      %add3A_13 = arith.constant 0 : i32
      %add3A_14 = arith.addi %mul3A_4, %add3A_13 : i32
      %multiple_of3A = tpu.assume_multiple %add3A_14, 8 : i32
      %slice3A = vector.extract_strided_slice %min3A_12 {offsets = [0], sizes = [1], strides = [1]} : vector<16xi32> to vector<1xi32>
      %squeeze3A = vector.extract %slice3A[0] : i32 from vector<1xi32>
      %multiple_of3A_15 = tpu.assume_multiple %squeeze3A, 128 : i32
      %dma_start3A = arith.constant 0 : i32
      %dma_start3A_16 = arith.constant 0 : i32
      %dma_start3A_17 = arith.constant 0 : i32
      %dma_start3A_18 = tpu.memref_slice %arg7[%dma_start3A, %dma_start3A_16, %dma_start3A_17] : memref<16x8x128xf32, #tpu.memory_space<vmem>> -> memref<1x8x128xf32, #tpu.memory_space<vmem>>
      %dma_start3A_19 = tpu.memref_squeeze %dma_start3A_18 : memref<1x8x128xf32, #tpu.memory_space<vmem>> -> memref<8x128xf32, #tpu.memory_space<vmem>>
      %dma_start3A_20 = tpu.memref_slice %arg2[%multiple_of3A, %multiple_of3A_15] : memref<64x1000000xf32, #tpu.memory_space<hbm>> -> memref<8x128xf32, #tpu.memory_space<hbm>>
      %dma_start3A_21 = arith.constant 0 : i32
      %dma_start3A_22 = arith.constant 0 : i32
      %dma_start3A_23 = tpu.memref_slice %arg7[%dma_start3A, %dma_start3A_21, %dma_start3A_22] : memref<16x8x128xf32, #tpu.memory_space<vmem>> -> memref<1x8x128xf32, #tpu.memory_space<vmem>>
      %dma_start3A_24 = tpu.memref_squeeze %dma_start3A_23 : memref<1x8x128xf32, #tpu.memory_space<vmem>> -> memref<8x128xf32, #tpu.memory_space<vmem>>
      %dma_start3A_25 = tpu.memref_slice %arg2[%multiple_of3A, %multiple_of3A_15] : memref<64x1000000xf32, #tpu.memory_space<hbm>> -> memref<8x128xf32, #tpu.memory_space<hbm>>
      tpu.enqueue_dma source(%dma_start3A_25 : memref<8x128xf32, #tpu.memory_space<hbm>>) target(%dma_start3A_24 : memref<8x128xf32, #tpu.memory_space<vmem>>) target_semaphore(%arg9 : memref<!tpu.dma_semaphore, #tpu.memory_space<semaphore_mem>>)
      %add3A_26 = arith.constant 0 : i32
      %add3A_27 = arith.addi %mul3A_4, %add3A_26 : i32
      %multiple_of3A_28 = tpu.assume_multiple %add3A_27, 8 : i32
      %slice3A_29 = vector.extract_strided_slice %min3A_12 {offsets = [1], sizes = [1], strides = [1]} : vector<16xi32> to vector<1xi32>
      %squeeze3A_30 = vector.extract %slice3A_29[0] : i32 from vector<1xi32>
      %multiple_of3A_31 = tpu.assume_multiple %squeeze3A_30, 128 : i32
      %dma_start3A_32 = arith.constant 1 : i32
      %dma_start3A_33 = arith.constant 0 : i32
      %dma_start3A_34 = arith.constant 0 : i32
      %dma_start3A_35 = tpu.memref_slice %arg7[%dma_start3A_32, %dma_start3A_33, %dma_start3A_34] : memref<16x8x128xf32, #tpu.memory_space<vmem>> -> memref<1x8x128xf32, #tpu.memory_space<vmem>>
      %dma_start3A_36 = tpu.memref_squeeze %dma_start3A_35 : memref<1x8x128xf32, #tpu.memory_space<vmem>> -> memref<8x128xf32, #tpu.memory_space<vmem>>
      %dma_start3A_37 = tpu.memref_slice %arg2[%multiple_of3A_28, %multiple_of3A_31] : memref<64x1000000xf32, #tpu.memory_space<hbm>> -> memref<8x128xf32, #tpu.memory_space<hbm>>
      %dma_start3A_38 = arith.constant 0 : i32
      %dma_start3A_39 = arith.constant 0 : i32
      %dma_start3A_40 = tpu.memref_slice %arg7[%dma_start3A_32, %dma_start3A_38, %dma_start3A_39] : memref<16x8x128xf32, #tpu.memory_space<vmem>> -> memref<1x8x128xf32, #tpu.memory_space<vmem>>
      %dma_start3A_41 = tpu.memref_squeeze %dma_start3A_40 : memref<1x8x128xf32, #tpu.memory_space<vmem>> -> memref<8x128xf32, #tpu.memory_space<vmem>>
      %dma_start3A_42 = tpu.memref_slice %arg2[%multiple_of3A_28, %multiple_of3A_31] : memref<64x1000000xf32, #tpu.memory_space<hbm>> -> memref<8x128xf32, #tpu.memory_space<hbm>>
      tpu.enqueue_dma source(%dma_start3A_42 : memref<8x128xf32, #tpu.memory_space<hbm>>) target(%dma_start3A_41 : memref<8x128xf32, #tpu.memory_space<vmem>>) target_semaphore(%arg9 : memref<!tpu.dma_semaphore, #tpu.memory_space<semaphore_mem>>)
      %add3A_43 = arith.constant 0 : i32
      %add3A_44 = arith.addi %mul3A_4, %add3A_43 : i32
      %multiple_of3A_45 = tpu.assume_multiple %add3A_44, 8 : i32
      %slice3A_46 = vector.extract_strided_slice %min3A_12 {offsets = [2], sizes = [1], strides = [1]} : vector<16xi32> to vector<1xi32>
      %squeeze3A_47 = vector.extract %slice3A_46[0] : i32 from vector<1xi32>
      %multiple_of3A_48 = tpu.assume_multiple %squeeze3A_47, 128 : i32
      %dma_start3A_49 = arith.constant 2 : i32
      %dma_start3A_50 = arith.constant 0 : i32
      %dma_start3A_51 = arith.constant 0 : i32
      %dma_start3A_52 = tpu.memref_slice %arg7[%dma_start3A_49, %dma_start3A_50, %dma_start3A_51] : memref<16x8x128xf32, #tpu.memory_space<vmem>> -> memref<1x8x128xf32, #tpu.memory_space<vmem>>
      %dma_start3A_53 = tpu.memref_squeeze %dma_start3A_52 : memref<1x8x128xf32, #tpu.memory_space<vmem>> -> memref<8x128xf32, #tpu.memory_space<vmem>>
      %dma_start3A_54 = tpu.memref_slice %arg2[%multiple_of3A_45, %multiple_of3A_48] : memref<64x1000000xf32, #tpu.memory_space<hbm>> -> memref<8x128xf32, #tpu.memory_space<hbm>>
      %dma_start3A_55 = arith.constant 0 : i32
      %dma_start3A_56 = arith.constant 0 : i32
      %dma_start3A_57 = tpu.memref_slice %arg7[%dma_start3A_49, %dma_start3A_55, %dma_start3A_56] : memref<16x8x128xf32, #tpu.memory_space<vmem>> -> memref<1x8x128xf32, #tpu.memory_space<vmem>>
      %dma_start3A_58 = tpu.memref_squeeze %dma_start3A_57 : memref<1x8x128xf32, #tpu.memory_space<vmem>> -> memref<8x128xf32, #tpu.memory_space<vmem>>
      %dma_start3A_59 = tpu.memref_slice %arg2[%multiple_of3A_45, %multiple_of3A_48] : memref<64x1000000xf32, #tpu.memory_space<hbm>> -> memref<8x128xf32, #tpu.memory_space<hbm>>
      tpu.enqueue_dma source(%dma_start3A_59 : memref<8x128xf32, #tpu.memory_space<hbm>>) target(%dma_start3A_58 : memref<8x128xf32, #tpu.memory_space<vmem>>) target_semaphore(%arg9 : memref<!tpu.dma_semaphore, #tpu.memory_space<semaphore_mem>>)
      %add3A_60 = arith.constant 0 : i32
      %add3A_61 = arith.addi %mul3A_4, %add3A_60 : i32
      %multiple_of3A_62 = tpu.assume_multiple %add3A_61, 8 : i32
      %slice3A_63 = vector.extract_strided_slice %min3A_12 {offsets = [3], sizes = [1], strides = [1]} : vector<16xi32> to vector<1xi32>
      %squeeze3A_64 = vector.extract %slice3A_63[0] : i32 from vector<1xi32>
      %multiple_of3A_65 = tpu.assume_multiple %squeeze3A_64, 128 : i32
      %dma_start3A_66 = arith.constant 3 : i32
      %dma_start3A_67 = arith.constant 0 : i32
      %dma_start3A_68 = arith.constant 0 : i32
      %dma_start3A_69 = tpu.memref_slice %arg7[%dma_start3A_66, %dma_start3A_67, %dma_start3A_68] : memref<16x8x128xf32, #tpu.memory_space<vmem>> -> memref<1x8x128xf32, #tpu.memory_space<vmem>>
      %dma_start3A_70 = tpu.memref_squeeze %dma_start3A_69 : memref<1x8x128xf32, #tpu.memory_space<vmem>> -> memref<8x128xf32, #tpu.memory_space<vmem>>
      %dma_start3A_71 = tpu.memref_slice %arg2[%multiple_of3A_62, %multiple_of3A_65] : memref<64x1000000xf32, #tpu.memory_space<hbm>> -> memref<8x128xf32, #tpu.memory_space<hbm>>
      %dma_start3A_72 = arith.constant 0 : i32
      %dma_start3A_73 = arith.constant 0 : i32
      %dma_start3A_74 = tpu.memref_slice %arg7[%dma_start3A_66, %dma_start3A_72, %dma_start3A_73] : memref<16x8x128xf32, #tpu.memory_space<vmem>> -> memref<1x8x128xf32, #tpu.memory_space<vmem>>
      %dma_start3A_75 = tpu.memref_squeeze %dma_start3A_74 : memref<1x8x128xf32, #tpu.memory_space<vmem>> -> memref<8x128xf32, #tpu.memory_space<vmem>>
      %dma_start3A_76 = tpu.memref_slice %arg2[%multiple_of3A_62, %multiple_of3A_65] : memref<64x1000000xf32, #tpu.memory_space<hbm>> -> memref<8x128xf32, #tpu.memory_space<hbm>>
      tpu.enqueue_dma source(%dma_start3A_76 : memref<8x128xf32, #tpu.memory_space<hbm>>) target(%dma_start3A_75 : memref<8x128xf32, #tpu.memory_space<vmem>>) target_semaphore(%arg9 : memref<!tpu.dma_semaphore, #tpu.memory_space<semaphore_mem>>)
      %add3A_77 = arith.constant 0 : i32
      %add3A_78 = arith.addi %mul3A_4, %add3A_77 : i32
      %multiple_of3A_79 = tpu.assume_multiple %add3A_78, 8 : i32
      %slice3A_80 = vector.extract_strided_slice %min3A_12 {offsets = [4], sizes = [1], strides = [1]} : vector<16xi32> to vector<1xi32>
      %squeeze3A_81 = vector.extract %slice3A_80[0] : i32 from vector<1xi32>
      %multiple_of3A_82 = tpu.assume_multiple %squeeze3A_81, 128 : i32
      %dma_start3A_83 = arith.constant 4 : i32
      %dma_start3A_84 = arith.constant 0 : i32
      %dma_start3A_85 = arith.constant 0 : i32
      %dma_start3A_86 = tpu.memref_slice %arg7[%dma_start3A_83, %dma_start3A_84, %dma_start3A_85] : memref<16x8x128xf32, #tpu.memory_space<vmem>> -> memref<1x8x128xf32, #tpu.memory_space<vmem>>
      %dma_start3A_87 = tpu.memref_squeeze %dma_start3A_86 : memref<1x8x128xf32, #tpu.memory_space<vmem>> -> memref<8x128xf32, #tpu.memory_space<vmem>>
      %dma_start3A_88 = tpu.memref_slice %arg2[%multiple_of3A_79, %multiple_of3A_82] : memref<64x1000000xf32, #tpu.memory_space<hbm>> -> memref<8x128xf32, #tpu.memory_space<hbm>>
      %dma_start3A_89 = arith.constant 0 : i32
      %dma_start3A_90 = arith.constant 0 : i32
      %dma_start3A_91 = tpu.memref_slice %arg7[%dma_start3A_83, %dma_start3A_89, %dma_start3A_90] : memref<16x8x128xf32, #tpu.memory_space<vmem>> -> memref<1x8x128xf32, #tpu.memory_space<vmem>>
      %dma_start3A_92 = tpu.memref_squeeze %dma_start3A_91 : memref<1x8x128xf32, #tpu.memory_space<vmem>> -> memref<8x128xf32, #tpu.memory_space<vmem>>
      %dma_start3A_93 = tpu.memref_slice %arg2[%multiple_of3A_79, %multiple_of3A_82] : memref<64x1000000xf32, #tpu.memory_space<hbm>> -> memref<8x128xf32, #tpu.memory_space<hbm>>
      tpu.enqueue_dma source(%dma_start3A_93 : memref<8x128xf32, #tpu.memory_space<hbm>>) target(%dma_start3A_92 : memref<8x128xf32, #tpu.memory_space<vmem>>) target_semaphore(%arg9 : memref<!tpu.dma_semaphore, #tpu.memory_space<semaphore_mem>>)
      %add3A_94 = arith.constant 0 : i32
      %add3A_95 = arith.addi %mul3A_4, %add3A_94 : i32
      %multiple_of3A_96 = tpu.assume_multiple %add3A_95, 8 : i32
      %slice3A_97 = vector.extract_strided_slice %min3A_12 {offsets = [5], sizes = [1], strides = [1]} : vector<16xi32> to vector<1xi32>
      %squeeze3A_98 = vector.extract %slice3A_97[0] : i32 from vector<1xi32>
      %multiple_of3A_99 = tpu.assume_multiple %squeeze3A_98, 128 : i32
      %dma_start3A_100 = arith.constant 5 : i32
      %dma_start3A_101 = arith.constant 0 : i32
      %dma_start3A_102 = arith.constant 0 : i32
      %dma_start3A_103 = tpu.memref_slice %arg7[%dma_start3A_100, %dma_start3A_101, %dma_start3A_102] : memref<16x8x128xf32, #tpu.memory_space<vmem>> -> memref<1x8x128xf32, #tpu.memory_space<vmem>>
      %dma_start3A_104 = tpu.memref_squeeze %dma_start3A_103 : memref<1x8x128xf32, #tpu.memory_space<vmem>> -> memref<8x128xf32, #tpu.memory_space<vmem>>
      %dma_start3A_105 = tpu.memref_slice %arg2[%multiple_of3A_96, %multiple_of3A_99] : memref<64x1000000xf32, #tpu.memory_space<hbm>> -> memref<8x128xf32, #tpu.memory_space<hbm>>
      %dma_start3A_106 = arith.constant 0 : i32
      %dma_start3A_107 = arith.constant 0 : i32
      %dma_start3A_108 = tpu.memref_slice %arg7[%dma_start3A_100, %dma_start3A_106, %dma_start3A_107] : memref<16x8x128xf32, #tpu.memory_space<vmem>> -> memref<1x8x128xf32, #tpu.memory_space<vmem>>
      %dma_start3A_109 = tpu.memref_squeeze %dma_start3A_108 : memref<1x8x128xf32, #tpu.memory_space<vmem>> -> memref<8x128xf32, #tpu.memory_space<vmem>>
      %dma_start3A_110 = tpu.memref_slice %arg2[%multiple_of3A_96, %multiple_of3A_99] : memref<64x1000000xf32, #tpu.memory_space<hbm>> -> memref<8x128xf32, #tpu.memory_space<hbm>>
      tpu.enqueue_dma source(%dma_start3A_110 : memref<8x128xf32, #tpu.memory_space<hbm>>) target(%dma_start3A_109 : memref<8x128xf32, #tpu.memory_space<vmem>>) target_semaphore(%arg9 : memref<!tpu.dma_semaphore, #tpu.memory_space<semaphore_mem>>)
      %add3A_111 = arith.constant 0 : i32
      %add3A_112 = arith.addi %mul3A_4, %add3A_111 : i32
      %multiple_of3A_113 = tpu.assume_multiple %add3A_112, 8 : i32
      %slice3A_114 = vector.extract_strided_slice %min3A_12 {offsets = [6], sizes = [1], strides = [1]} : vector<16xi32> to vector<1xi32>
      %squeeze3A_115 = vector.extract %slice3A_114[0] : i32 from vector<1xi32>
      %multiple_of3A_116 = tpu.assume_multiple %squeeze3A_115, 128 : i32
      %dma_start3A_117 = arith.constant 6 : i32
      %dma_start3A_118 = arith.constant 0 : i32
      %dma_start3A_119 = arith.constant 0 : i32
      %dma_start3A_120 = tpu.memref_slice %arg7[%dma_start3A_117, %dma_start3A_118, %dma_start3A_119] : memref<16x8x128xf32, #tpu.memory_space<vmem>> -> memref<1x8x128xf32, #tpu.memory_space<vmem>>
      %dma_start3A_121 = tpu.memref_squeeze %dma_start3A_120 : memref<1x8x128xf32, #tpu.memory_space<vmem>> -> memref<8x128xf32, #tpu.memory_space<vmem>>
      %dma_start3A_122 = tpu.memref_slice %arg2[%multiple_of3A_113, %multiple_of3A_116] : memref<64x1000000xf32, #tpu.memory_space<hbm>> -> memref<8x128xf32, #tpu.memory_space<hbm>>
      %dma_start3A_123 = arith.constant 0 : i32
      %dma_start3A_124 = arith.constant 0 : i32
      %dma_start3A_125 = tpu.memref_slice %arg7[%dma_start3A_117, %dma_start3A_123, %dma_start3A_124] : memref<16x8x128xf32, #tpu.memory_space<vmem>> -> memref<1x8x128xf32, #tpu.memory_space<vmem>>
      %dma_start3A_126 = tpu.memref_squeeze %dma_start3A_125 : memref<1x8x128xf32, #tpu.memory_space<vmem>> -> memref<8x128xf32, #tpu.memory_space<vmem>>
      %dma_start3A_127 = tpu.memref_slice %arg2[%multiple_of3A_113, %multiple_of3A_116] : memref<64x1000000xf32, #tpu.memory_space<hbm>> -> memref<8x128xf32, #tpu.memory_space<hbm>>
      tpu.enqueue_dma source(%dma_start3A_127 : memref<8x128xf32, #tpu.memory_space<hbm>>) target(%dma_start3A_126 : memref<8x128xf32, #tpu.memory_space<vmem>>) target_semaphore(%arg9 : memref<!tpu.dma_semaphore, #tpu.memory_space<semaphore_mem>>)
      %add3A_128 = arith.constant 0 : i32
      %add3A_129 = arith.addi %mul3A_4, %add3A_128 : i32
      %multiple_of3A_130 = tpu.assume_multiple %add3A_129, 8 : i32
      %slice3A_131 = vector.extract_strided_slice %min3A_12 {offsets = [7], sizes = [1], strides = [1]} : vector<16xi32> to vector<1xi32>
      %squeeze3A_132 = vector.extract %slice3A_131[0] : i32 from vector<1xi32>
      %multiple_of3A_133 = tpu.assume_multiple %squeeze3A_132, 128 : i32
      %dma_start3A_134 = arith.constant 7 : i32
      %dma_start3A_135 = arith.constant 0 : i32
      %dma_start3A_136 = arith.constant 0 : i32
      %dma_start3A_137 = tpu.memref_slice %arg7[%dma_start3A_134, %dma_start3A_135, %dma_start3A_136] : memref<16x8x128xf32, #tpu.memory_space<vmem>> -> memref<1x8x128xf32, #tpu.memory_space<vmem>>
      %dma_start3A_138 = tpu.memref_squeeze %dma_start3A_137 : memref<1x8x128xf32, #tpu.memory_space<vmem>> -> memref<8x128xf32, #tpu.memory_space<vmem>>
      %dma_start3A_139 = tpu.memref_slice %arg2[%multiple_of3A_130, %multiple_of3A_133] : memref<64x1000000xf32, #tpu.memory_space<hbm>> -> memref<8x128xf32, #tpu.memory_space<hbm>>
      %dma_start3A_140 = arith.constant 0 : i32
      %dma_start3A_141 = arith.constant 0 : i32
      %dma_start3A_142 = tpu.memref_slice %arg7[%dma_start3A_134, %dma_start3A_140, %dma_start3A_141] : memref<16x8x128xf32, #tpu.memory_space<vmem>> -> memref<1x8x128xf32, #tpu.memory_space<vmem>>
      %dma_start3A_143 = tpu.memref_squeeze %dma_start3A_142 : memref<1x8x128xf32, #tpu.memory_space<vmem>> -> memref<8x128xf32, #tpu.memory_space<vmem>>
      %dma_start3A_144 = tpu.memref_slice %arg2[%multiple_of3A_130, %multiple_of3A_133] : memref<64x1000000xf32, #tpu.memory_space<hbm>> -> memref<8x128xf32, #tpu.memory_space<hbm>>
      tpu.enqueue_dma source(%dma_start3A_144 : memref<8x128xf32, #tpu.memory_space<hbm>>) target(%dma_start3A_143 : memref<8x128xf32, #tpu.memory_space<vmem>>) target_semaphore(%arg9 : memref<!tpu.dma_semaphore, #tpu.memory_space<semaphore_mem>>)
      %add3A_145 = arith.constant 8 : i32
      %add3A_146 = arith.addi %mul3A_4, %add3A_145 : i32
      %multiple_of3A_147 = tpu.assume_multiple %add3A_146, 8 : i32
      %slice3A_148 = vector.extract_strided_slice %min3A_12 {offsets = [8], sizes = [1], strides = [1]} : vector<16xi32> to vector<1xi32>
      %squeeze3A_149 = vector.extract %slice3A_148[0] : i32 from vector<1xi32>
      %multiple_of3A_150 = tpu.assume_multiple %squeeze3A_149, 128 : i32
      %dma_start3A_151 = arith.constant 8 : i32
      %dma_start3A_152 = arith.constant 0 : i32
      %dma_start3A_153 = arith.constant 0 : i32
      %dma_start3A_154 = tpu.memref_slice %arg7[%dma_start3A_151, %dma_start3A_152, %dma_start3A_153] : memref<16x8x128xf32, #tpu.memory_space<vmem>> -> memref<1x8x128xf32, #tpu.memory_space<vmem>>
      %dma_start3A_155 = tpu.memref_squeeze %dma_start3A_154 : memref<1x8x128xf32, #tpu.memory_space<vmem>> -> memref<8x128xf32, #tpu.memory_space<vmem>>
      %dma_start3A_156 = tpu.memref_slice %arg2[%multiple_of3A_147, %multiple_of3A_150] : memref<64x1000000xf32, #tpu.memory_space<hbm>> -> memref<8x128xf32, #tpu.memory_space<hbm>>
      %dma_start3A_157 = arith.constant 0 : i32
      %dma_start3A_158 = arith.constant 0 : i32
      %dma_start3A_159 = tpu.memref_slice %arg7[%dma_start3A_151, %dma_start3A_157, %dma_start3A_158] : memref<16x8x128xf32, #tpu.memory_space<vmem>> -> memref<1x8x128xf32, #tpu.memory_space<vmem>>
      %dma_start3A_160 = tpu.memref_squeeze %dma_start3A_159 : memref<1x8x128xf32, #tpu.memory_space<vmem>> -> memref<8x128xf32, #tpu.memory_space<vmem>>
      %dma_start3A_161 = tpu.memref_slice %arg2[%multiple_of3A_147, %multiple_of3A_150] : memref<64x1000000xf32, #tpu.memory_space<hbm>> -> memref<8x128xf32, #tpu.memory_space<hbm>>
      tpu.enqueue_dma source(%dma_start3A_161 : memref<8x128xf32, #tpu.memory_space<hbm>>) target(%dma_start3A_160 : memref<8x128xf32, #tpu.memory_space<vmem>>) target_semaphore(%arg9 : memref<!tpu.dma_semaphore, #tpu.memory_space<semaphore_mem>>)
      %add3A_162 = arith.constant 8 : i32
      %add3A_163 = arith.addi %mul3A_4, %add3A_162 : i32
      %multiple_of3A_164 = tpu.assume_multiple %add3A_163, 8 : i32
      %slice3A_165 = vector.extract_strided_slice %min3A_12 {offsets = [9], sizes = [1], strides = [1]} : vector<16xi32> to vector<1xi32>
      %squeeze3A_166 = vector.extract %slice3A_165[0] : i32 from vector<1xi32>
      %multiple_of3A_167 = tpu.assume_multiple %squeeze3A_166, 128 : i32
      %dma_start3A_168 = arith.constant 9 : i32
      %dma_start3A_169 = arith.constant 0 : i32
      %dma_start3A_170 = arith.constant 0 : i32
      %dma_start3A_171 = tpu.memref_slice %arg7[%dma_start3A_168, %dma_start3A_169, %dma_start3A_170] : memref<16x8x128xf32, #tpu.memory_space<vmem>> -> memref<1x8x128xf32, #tpu.memory_space<vmem>>
      %dma_start3A_172 = tpu.memref_squeeze %dma_start3A_171 : memref<1x8x128xf32, #tpu.memory_space<vmem>> -> memref<8x128xf32, #tpu.memory_space<vmem>>
      %dma_start3A_173 = tpu.memref_slice %arg2[%multiple_of3A_164, %multiple_of3A_167] : memref<64x1000000xf32, #tpu.memory_space<hbm>> -> memref<8x128xf32, #tpu.memory_space<hbm>>
      %dma_start3A_174 = arith.constant 0 : i32
      %dma_start3A_175 = arith.constant 0 : i32
      %dma_start3A_176 = tpu.memref_slice %arg7[%dma_start3A_168, %dma_start3A_174, %dma_start3A_175] : memref<16x8x128xf32, #tpu.memory_space<vmem>> -> memref<1x8x128xf32, #tpu.memory_space<vmem>>
      %dma_start3A_177 = tpu.memref_squeeze %dma_start3A_176 : memref<1x8x128xf32, #tpu.memory_space<vmem>> -> memref<8x128xf32, #tpu.memory_space<vmem>>
      %dma_start3A_178 = tpu.memref_slice %arg2[%multiple_of3A_164, %multiple_of3A_167] : memref<64x1000000xf32, #tpu.memory_space<hbm>> -> memref<8x128xf32, #tpu.memory_space<hbm>>
      tpu.enqueue_dma source(%dma_start3A_178 : memref<8x128xf32, #tpu.memory_space<hbm>>) target(%dma_start3A_177 : memref<8x128xf32, #tpu.memory_space<vmem>>) target_semaphore(%arg9 : memref<!tpu.dma_semaphore, #tpu.memory_space<semaphore_mem>>)
      %add3A_179 = arith.constant 8 : i32
      %add3A_180 = arith.addi %mul3A_4, %add3A_179 : i32
      %multiple_of3A_181 = tpu.assume_multiple %add3A_180, 8 : i32
      %slice3A_182 = vector.extract_strided_slice %min3A_12 {offsets = [10], sizes = [1], strides = [1]} : vector<16xi32> to vector<1xi32>
      %squeeze3A_183 = vector.extract %slice3A_182[0] : i32 from vector<1xi32>
      %multiple_of3A_184 = tpu.assume_multiple %squeeze3A_183, 128 : i32
      %dma_start3A_185 = arith.constant 10 : i32
      %dma_start3A_186 = arith.constant 0 : i32
      %dma_start3A_187 = arith.constant 0 : i32
      %dma_start3A_188 = tpu.memref_slice %arg7[%dma_start3A_185, %dma_start3A_186, %dma_start3A_187] : memref<16x8x128xf32, #tpu.memory_space<vmem>> -> memref<1x8x128xf32, #tpu.memory_space<vmem>>
      %dma_start3A_189 = tpu.memref_squeeze %dma_start3A_188 : memref<1x8x128xf32, #tpu.memory_space<vmem>> -> memref<8x128xf32, #tpu.memory_space<vmem>>
      %dma_start3A_190 = tpu.memref_slice %arg2[%multiple_of3A_181, %multiple_of3A_184] : memref<64x1000000xf32, #tpu.memory_space<hbm>> -> memref<8x128xf32, #tpu.memory_space<hbm>>
      %dma_start3A_191 = arith.constant 0 : i32
      %dma_start3A_192 = arith.constant 0 : i32
      %dma_start3A_193 = tpu.memref_slice %arg7[%dma_start3A_185, %dma_start3A_191, %dma_start3A_192] : memref<16x8x128xf32, #tpu.memory_space<vmem>> -> memref<1x8x128xf32, #tpu.memory_space<vmem>>
      %dma_start3A_194 = tpu.memref_squeeze %dma_start3A_193 : memref<1x8x128xf32, #tpu.memory_space<vmem>> -> memref<8x128xf32, #tpu.memory_space<vmem>>
      %dma_start3A_195 = tpu.memref_slice %arg2[%multiple_of3A_181, %multiple_of3A_184] : memref<64x1000000xf32, #tpu.memory_space<hbm>> -> memref<8x128xf32, #tpu.memory_space<hbm>>
      tpu.enqueue_dma source(%dma_start3A_195 : memref<8x128xf32, #tpu.memory_space<hbm>>) target(%dma_start3A_194 : memref<8x128xf32, #tpu.memory_space<vmem>>) target_semaphore(%arg9 : memref<!tpu.dma_semaphore, #tpu.memory_space<semaphore_mem>>)
      %add3A_196 = arith.constant 8 : i32
      %add3A_197 = arith.addi %mul3A_4, %add3A_196 : i32
      %multiple_of3A_198 = tpu.assume_multiple %add3A_197, 8 : i32
      %slice3A_199 = vector.extract_strided_slice %min3A_12 {offsets = [11], sizes = [1], strides = [1]} : vector<16xi32> to vector<1xi32>
      %squeeze3A_200 = vector.extract %slice3A_199[0] : i32 from vector<1xi32>
      %multiple_of3A_201 = tpu.assume_multiple %squeeze3A_200, 128 : i32
      %dma_start3A_202 = arith.constant 11 : i32
      %dma_start3A_203 = arith.constant 0 : i32
      %dma_start3A_204 = arith.constant 0 : i32
      %dma_start3A_205 = tpu.memref_slice %arg7[%dma_start3A_202, %dma_start3A_203, %dma_start3A_204] : memref<16x8x128xf32, #tpu.memory_space<vmem>> -> memref<1x8x128xf32, #tpu.memory_space<vmem>>
      %dma_start3A_206 = tpu.memref_squeeze %dma_start3A_205 : memref<1x8x128xf32, #tpu.memory_space<vmem>> -> memref<8x128xf32, #tpu.memory_space<vmem>>
      %dma_start3A_207 = tpu.memref_slice %arg2[%multiple_of3A_198, %multiple_of3A_201] : memref<64x1000000xf32, #tpu.memory_space<hbm>> -> memref<8x128xf32, #tpu.memory_space<hbm>>
      %dma_start3A_208 = arith.constant 0 : i32
      %dma_start3A_209 = arith.constant 0 : i32
      %dma_start3A_210 = tpu.memref_slice %arg7[%dma_start3A_202, %dma_start3A_208, %dma_start3A_209] : memref<16x8x128xf32, #tpu.memory_space<vmem>> -> memref<1x8x128xf32, #tpu.memory_space<vmem>>
      %dma_start3A_211 = tpu.memref_squeeze %dma_start3A_210 : memref<1x8x128xf32, #tpu.memory_space<vmem>> -> memref<8x128xf32, #tpu.memory_space<vmem>>
      %dma_start3A_212 = tpu.memref_slice %arg2[%multiple_of3A_198, %multiple_of3A_201] : memref<64x1000000xf32, #tpu.memory_space<hbm>> -> memref<8x128xf32, #tpu.memory_space<hbm>>
      tpu.enqueue_dma source(%dma_start3A_212 : memref<8x128xf32, #tpu.memory_space<hbm>>) target(%dma_start3A_211 : memref<8x128xf32, #tpu.memory_space<vmem>>) target_semaphore(%arg9 : memref<!tpu.dma_semaphore, #tpu.memory_space<semaphore_mem>>)
      %add3A_213 = arith.constant 8 : i32
      %add3A_214 = arith.addi %mul3A_4, %add3A_213 : i32
      %multiple_of3A_215 = tpu.assume_multiple %add3A_214, 8 : i32
      %slice3A_216 = vector.extract_strided_slice %min3A_12 {offsets = [12], sizes = [1], strides = [1]} : vector<16xi32> to vector<1xi32>
      %squeeze3A_217 = vector.extract %slice3A_216[0] : i32 from vector<1xi32>
      %multiple_of3A_218 = tpu.assume_multiple %squeeze3A_217, 128 : i32
      %dma_start3A_219 = arith.constant 12 : i32
      %dma_start3A_220 = arith.constant 0 : i32
      %dma_start3A_221 = arith.constant 0 : i32
      %dma_start3A_222 = tpu.memref_slice %arg7[%dma_start3A_219, %dma_start3A_220, %dma_start3A_221] : memref<16x8x128xf32, #tpu.memory_space<vmem>> -> memref<1x8x128xf32, #tpu.memory_space<vmem>>
      %dma_start3A_223 = tpu.memref_squeeze %dma_start3A_222 : memref<1x8x128xf32, #tpu.memory_space<vmem>> -> memref<8x128xf32, #tpu.memory_space<vmem>>
      %dma_start3A_224 = tpu.memref_slice %arg2[%multiple_of3A_215, %multiple_of3A_218] : memref<64x1000000xf32, #tpu.memory_space<hbm>> -> memref<8x128xf32, #tpu.memory_space<hbm>>
      %dma_start3A_225 = arith.constant 0 : i32
      %dma_start3A_226 = arith.constant 0 : i32
      %dma_start3A_227 = tpu.memref_slice %arg7[%dma_start3A_219, %dma_start3A_225, %dma_start3A_226] : memref<16x8x128xf32, #tpu.memory_space<vmem>> -> memref<1x8x128xf32, #tpu.memory_space<vmem>>
      %dma_start3A_228 = tpu.memref_squeeze %dma_start3A_227 : memref<1x8x128xf32, #tpu.memory_space<vmem>> -> memref<8x128xf32, #tpu.memory_space<vmem>>
      %dma_start3A_229 = tpu.memref_slice %arg2[%multiple_of3A_215, %multiple_of3A_218] : memref<64x1000000xf32, #tpu.memory_space<hbm>> -> memref<8x128xf32, #tpu.memory_space<hbm>>
      tpu.enqueue_dma source(%dma_start3A_229 : memref<8x128xf32, #tpu.memory_space<hbm>>) target(%dma_start3A_228 : memref<8x128xf32, #tpu.memory_space<vmem>>) target_semaphore(%arg9 : memref<!tpu.dma_semaphore, #tpu.memory_space<semaphore_mem>>)
      %add3A_230 = arith.constant 8 : i32
      %add3A_231 = arith.addi %mul3A_4, %add3A_230 : i32
      %multiple_of3A_232 = tpu.assume_multiple %add3A_231, 8 : i32
      %slice3A_233 = vector.extract_strided_slice %min3A_12 {offsets = [13], sizes = [1], strides = [1]} : vector<16xi32> to vector<1xi32>
      %squeeze3A_234 = vector.extract %slice3A_233[0] : i32 from vector<1xi32>
      %multiple_of3A_235 = tpu.assume_multiple %squeeze3A_234, 128 : i32
      %dma_start3A_236 = arith.constant 13 : i32
      %dma_start3A_237 = arith.constant 0 : i32
      %dma_start3A_238 = arith.constant 0 : i32
      %dma_start3A_239 = tpu.memref_slice %arg7[%dma_start3A_236, %dma_start3A_237, %dma_start3A_238] : memref<16x8x128xf32, #tpu.memory_space<vmem>> -> memref<1x8x128xf32, #tpu.memory_space<vmem>>
      %dma_start3A_240 = tpu.memref_squeeze %dma_start3A_239 : memref<1x8x128xf32, #tpu.memory_space<vmem>> -> memref<8x128xf32, #tpu.memory_space<vmem>>
      %dma_start3A_241 = tpu.memref_slice %arg2[%multiple_of3A_232, %multiple_of3A_235] : memref<64x1000000xf32, #tpu.memory_space<hbm>> -> memref<8x128xf32, #tpu.memory_space<hbm>>
      %dma_start3A_242 = arith.constant 0 : i32
      %dma_start3A_243 = arith.constant 0 : i32
      %dma_start3A_244 = tpu.memref_slice %arg7[%dma_start3A_236, %dma_start3A_242, %dma_start3A_243] : memref<16x8x128xf32, #tpu.memory_space<vmem>> -> memref<1x8x128xf32, #tpu.memory_space<vmem>>
      %dma_start3A_245 = tpu.memref_squeeze %dma_start3A_244 : memref<1x8x128xf32, #tpu.memory_space<vmem>> -> memref<8x128xf32, #tpu.memory_space<vmem>>
      %dma_start3A_246 = tpu.memref_slice %arg2[%multiple_of3A_232, %multiple_of3A_235] : memref<64x1000000xf32, #tpu.memory_space<hbm>> -> memref<8x128xf32, #tpu.memory_space<hbm>>
      tpu.enqueue_dma source(%dma_start3A_246 : memref<8x128xf32, #tpu.memory_space<hbm>>) target(%dma_start3A_245 : memref<8x128xf32, #tpu.memory_space<vmem>>) target_semaphore(%arg9 : memref<!tpu.dma_semaphore, #tpu.memory_space<semaphore_mem>>)
      %add3A_247 = arith.constant 8 : i32
      %add3A_248 = arith.addi %mul3A_4, %add3A_247 : i32
      %multiple_of3A_249 = tpu.assume_multiple %add3A_248, 8 : i32
      %slice3A_250 = vector.extract_strided_slice %min3A_12 {offsets = [14], sizes = [1], strides = [1]} : vector<16xi32> to vector<1xi32>
      %squeeze3A_251 = vector.extract %slice3A_250[0] : i32 from vector<1xi32>
      %multiple_of3A_252 = tpu.assume_multiple %squeeze3A_251, 128 : i32
      %dma_start3A_253 = arith.constant 14 : i32
      %dma_start3A_254 = arith.constant 0 : i32
      %dma_start3A_255 = arith.constant 0 : i32
      %dma_start3A_256 = tpu.memref_slice %arg7[%dma_start3A_253, %dma_start3A_254, %dma_start3A_255] : memref<16x8x128xf32, #tpu.memory_space<vmem>> -> memref<1x8x128xf32, #tpu.memory_space<vmem>>
      %dma_start3A_257 = tpu.memref_squeeze %dma_start3A_256 : memref<1x8x128xf32, #tpu.memory_space<vmem>> -> memref<8x128xf32, #tpu.memory_space<vmem>>
      %dma_start3A_258 = tpu.memref_slice %arg2[%multiple_of3A_249, %multiple_of3A_252] : memref<64x1000000xf32, #tpu.memory_space<hbm>> -> memref<8x128xf32, #tpu.memory_space<hbm>>
      %dma_start3A_259 = arith.constant 0 : i32
      %dma_start3A_260 = arith.constant 0 : i32
      %dma_start3A_261 = tpu.memref_slice %arg7[%dma_start3A_253, %dma_start3A_259, %dma_start3A_260] : memref<16x8x128xf32, #tpu.memory_space<vmem>> -> memref<1x8x128xf32, #tpu.memory_space<vmem>>
      %dma_start3A_262 = tpu.memref_squeeze %dma_start3A_261 : memref<1x8x128xf32, #tpu.memory_space<vmem>> -> memref<8x128xf32, #tpu.memory_space<vmem>>
      %dma_start3A_263 = tpu.memref_slice %arg2[%multiple_of3A_249, %multiple_of3A_252] : memref<64x1000000xf32, #tpu.memory_space<hbm>> -> memref<8x128xf32, #tpu.memory_space<hbm>>
      tpu.enqueue_dma source(%dma_start3A_263 : memref<8x128xf32, #tpu.memory_space<hbm>>) target(%dma_start3A_262 : memref<8x128xf32, #tpu.memory_space<vmem>>) target_semaphore(%arg9 : memref<!tpu.dma_semaphore, #tpu.memory_space<semaphore_mem>>)
      %add3A_264 = arith.constant 8 : i32
      %add3A_265 = arith.addi %mul3A_4, %add3A_264 : i32
      %multiple_of3A_266 = tpu.assume_multiple %add3A_265, 8 : i32
      %slice3A_267 = vector.extract_strided_slice %min3A_12 {offsets = [15], sizes = [1], strides = [1]} : vector<16xi32> to vector<1xi32>
      %squeeze3A_268 = vector.extract %slice3A_267[0] : i32 from vector<1xi32>
      %multiple_of3A_269 = tpu.assume_multiple %squeeze3A_268, 128 : i32
      %dma_start3A_270 = arith.constant 15 : i32
      %dma_start3A_271 = arith.constant 0 : i32
      %dma_start3A_272 = arith.constant 0 : i32
      %dma_start3A_273 = tpu.memref_slice %arg7[%dma_start3A_270, %dma_start3A_271, %dma_start3A_272] : memref<16x8x128xf32, #tpu.memory_space<vmem>> -> memref<1x8x128xf32, #tpu.memory_space<vmem>>
      %dma_start3A_274 = tpu.memref_squeeze %dma_start3A_273 : memref<1x8x128xf32, #tpu.memory_space<vmem>> -> memref<8x128xf32, #tpu.memory_space<vmem>>
      %dma_start3A_275 = tpu.memref_slice %arg2[%multiple_of3A_266, %multiple_of3A_269] : memref<64x1000000xf32, #tpu.memory_space<hbm>> -> memref<8x128xf32, #tpu.memory_space<hbm>>
      %dma_start3A_276 = arith.constant 0 : i32
      %dma_start3A_277 = arith.constant 0 : i32
      %dma_start3A_278 = tpu.memref_slice %arg7[%dma_start3A_270, %dma_start3A_276, %dma_start3A_277] : memref<16x8x128xf32, #tpu.memory_space<vmem>> -> memref<1x8x128xf32, #tpu.memory_space<vmem>>
      %dma_start3A_279 = tpu.memref_squeeze %dma_start3A_278 : memref<1x8x128xf32, #tpu.memory_space<vmem>> -> memref<8x128xf32, #tpu.memory_space<vmem>>
      %dma_start3A_280 = tpu.memref_slice %arg2[%multiple_of3A_266, %multiple_of3A_269] : memref<64x1000000xf32, #tpu.memory_space<hbm>> -> memref<8x128xf32, #tpu.memory_space<hbm>>
      tpu.enqueue_dma source(%dma_start3A_280 : memref<8x128xf32, #tpu.memory_space<hbm>>) target(%dma_start3A_279 : memref<8x128xf32, #tpu.memory_space<vmem>>) target_semaphore(%arg9 : memref<!tpu.dma_semaphore, #tpu.memory_space<semaphore_mem>>)
      %dma_wait3A = arith.constant 0 : i32
      %dma_wait3A_281 = arith.constant 0 : i32
      %dma_wait3A_282 = arith.constant 0 : i32
      %dma_wait3A_283 = tpu.memref_slice %arg7[%dma_wait3A, %dma_wait3A_281, %dma_wait3A_282] : memref<16x8x128xf32, #tpu.memory_space<vmem>> -> memref<1x8x128xf32, #tpu.memory_space<vmem>>
      %dma_wait3A_284 = tpu.memref_squeeze %dma_wait3A_283 : memref<1x8x128xf32, #tpu.memory_space<vmem>> -> memref<8x128xf32, #tpu.memory_space<vmem>>
      %dma_wait3A_285 = tpu.memref_slice %arg2[%multiple_of3A, %multiple_of3A_15] : memref<64x1000000xf32, #tpu.memory_space<hbm>> -> memref<8x128xf32, #tpu.memory_space<hbm>>
      %dma_wait3A_286 = arith.constant 0 : i32
      %dma_wait3A_287 = arith.constant 0 : i32
      %dma_wait3A_288 = tpu.memref_slice %arg7[%dma_wait3A, %dma_wait3A_286, %dma_wait3A_287] : memref<16x8x128xf32, #tpu.memory_space<vmem>> -> memref<1x8x128xf32, #tpu.memory_space<vmem>>
      %dma_wait3A_289 = tpu.memref_squeeze %dma_wait3A_288 : memref<1x8x128xf32, #tpu.memory_space<vmem>> -> memref<8x128xf32, #tpu.memory_space<vmem>>
      %dma_wait3A_290 = tpu.memref_slice %arg2[%multiple_of3A, %multiple_of3A_15] : memref<64x1000000xf32, #tpu.memory_space<hbm>> -> memref<8x128xf32, #tpu.memory_space<hbm>>
      tpu.wait_dma2 semaphore(%arg9 : memref<!tpu.dma_semaphore, #tpu.memory_space<semaphore_mem>>) src(%dma_wait3A_290 : memref<8x128xf32, #tpu.memory_space<hbm>>) dst(%dma_wait3A_289 : memref<8x128xf32, #tpu.memory_space<vmem>>)
      %dma_wait3A_291 = arith.constant 1 : i32
      %dma_wait3A_292 = arith.constant 0 : i32
      %dma_wait3A_293 = arith.constant 0 : i32
      %dma_wait3A_294 = tpu.memref_slice %arg7[%dma_wait3A_291, %dma_wait3A_292, %dma_wait3A_293] : memref<16x8x128xf32, #tpu.memory_space<vmem>> -> memref<1x8x128xf32, #tpu.memory_space<vmem>>
      %dma_wait3A_295 = tpu.memref_squeeze %dma_wait3A_294 : memref<1x8x128xf32, #tpu.memory_space<vmem>> -> memref<8x128xf32, #tpu.memory_space<vmem>>
      %dma_wait3A_296 = tpu.memref_slice %arg2[%multiple_of3A_28, %multiple_of3A_31] : memref<64x1000000xf32, #tpu.memory_space<hbm>> -> memref<8x128xf32, #tpu.memory_space<hbm>>
      %dma_wait3A_297 = arith.constant 0 : i32
      %dma_wait3A_298 = arith.constant 0 : i32
      %dma_wait3A_299 = tpu.memref_slice %arg7[%dma_wait3A_291, %dma_wait3A_297, %dma_wait3A_298] : memref<16x8x128xf32, #tpu.memory_space<vmem>> -> memref<1x8x128xf32, #tpu.memory_space<vmem>>
      %dma_wait3A_300 = tpu.memref_squeeze %dma_wait3A_299 : memref<1x8x128xf32, #tpu.memory_space<vmem>> -> memref<8x128xf32, #tpu.memory_space<vmem>>
      %dma_wait3A_301 = tpu.memref_slice %arg2[%multiple_of3A_28, %multiple_of3A_31] : memref<64x1000000xf32, #tpu.memory_space<hbm>> -> memref<8x128xf32, #tpu.memory_space<hbm>>
      tpu.wait_dma2 semaphore(%arg9 : memref<!tpu.dma_semaphore, #tpu.memory_space<semaphore_mem>>) src(%dma_wait3A_301 : memref<8x128xf32, #tpu.memory_space<hbm>>) dst(%dma_wait3A_300 : memref<8x128xf32, #tpu.memory_space<vmem>>)
      %dma_wait3A_302 = arith.constant 2 : i32
      %dma_wait3A_303 = arith.constant 0 : i32
      %dma_wait3A_304 = arith.constant 0 : i32
      %dma_wait3A_305 = tpu.memref_slice %arg7[%dma_wait3A_302, %dma_wait3A_303, %dma_wait3A_304] : memref<16x8x128xf32, #tpu.memory_space<vmem>> -> memref<1x8x128xf32, #tpu.memory_space<vmem>>
      %dma_wait3A_306 = tpu.memref_squeeze %dma_wait3A_305 : memref<1x8x128xf32, #tpu.memory_space<vmem>> -> memref<8x128xf32, #tpu.memory_space<vmem>>
      %dma_wait3A_307 = tpu.memref_slice %arg2[%multiple_of3A_45, %multiple_of3A_48] : memref<64x1000000xf32, #tpu.memory_space<hbm>> -> memref<8x128xf32, #tpu.memory_space<hbm>>
      %dma_wait3A_308 = arith.constant 0 : i32
      %dma_wait3A_309 = arith.constant 0 : i32
      %dma_wait3A_310 = tpu.memref_slice %arg7[%dma_wait3A_302, %dma_wait3A_308, %dma_wait3A_309] : memref<16x8x128xf32, #tpu.memory_space<vmem>> -> memref<1x8x128xf32, #tpu.memory_space<vmem>>
      %dma_wait3A_311 = tpu.memref_squeeze %dma_wait3A_310 : memref<1x8x128xf32, #tpu.memory_space<vmem>> -> memref<8x128xf32, #tpu.memory_space<vmem>>
      %dma_wait3A_312 = tpu.memref_slice %arg2[%multiple_of3A_45, %multiple_of3A_48] : memref<64x1000000xf32, #tpu.memory_space<hbm>> -> memref<8x128xf32, #tpu.memory_space<hbm>>
      tpu.wait_dma2 semaphore(%arg9 : memref<!tpu.dma_semaphore, #tpu.memory_space<semaphore_mem>>) src(%dma_wait3A_312 : memref<8x128xf32, #tpu.memory_space<hbm>>) dst(%dma_wait3A_311 : memref<8x128xf32, #tpu.memory_space<vmem>>)
      %dma_wait3A_313 = arith.constant 3 : i32
      %dma_wait3A_314 = arith.constant 0 : i32
      %dma_wait3A_315 = arith.constant 0 : i32
      %dma_wait3A_316 = tpu.memref_slice %arg7[%dma_wait3A_313, %dma_wait3A_314, %dma_wait3A_315] : memref<16x8x128xf32, #tpu.memory_space<vmem>> -> memref<1x8x128xf32, #tpu.memory_space<vmem>>
      %dma_wait3A_317 = tpu.memref_squeeze %dma_wait3A_316 : memref<1x8x128xf32, #tpu.memory_space<vmem>> -> memref<8x128xf32, #tpu.memory_space<vmem>>
      %dma_wait3A_318 = tpu.memref_slice %arg2[%multiple_of3A_62, %multiple_of3A_65] : memref<64x1000000xf32, #tpu.memory_space<hbm>> -> memref<8x128xf32, #tpu.memory_space<hbm>>
      %dma_wait3A_319 = arith.constant 0 : i32
      %dma_wait3A_320 = arith.constant 0 : i32
      %dma_wait3A_321 = tpu.memref_slice %arg7[%dma_wait3A_313, %dma_wait3A_319, %dma_wait3A_320] : memref<16x8x128xf32, #tpu.memory_space<vmem>> -> memref<1x8x128xf32, #tpu.memory_space<vmem>>
      %dma_wait3A_322 = tpu.memref_squeeze %dma_wait3A_321 : memref<1x8x128xf32, #tpu.memory_space<vmem>> -> memref<8x128xf32, #tpu.memory_space<vmem>>
      %dma_wait3A_323 = tpu.memref_slice %arg2[%multiple_of3A_62, %multiple_of3A_65] : memref<64x1000000xf32, #tpu.memory_space<hbm>> -> memref<8x128xf32, #tpu.memory_space<hbm>>
      tpu.wait_dma2 semaphore(%arg9 : memref<!tpu.dma_semaphore, #tpu.memory_space<semaphore_mem>>) src(%dma_wait3A_323 : memref<8x128xf32, #tpu.memory_space<hbm>>) dst(%dma_wait3A_322 : memref<8x128xf32, #tpu.memory_space<vmem>>)
      %dma_wait3A_324 = arith.constant 4 : i32
      %dma_wait3A_325 = arith.constant 0 : i32
      %dma_wait3A_326 = arith.constant 0 : i32
      %dma_wait3A_327 = tpu.memref_slice %arg7[%dma_wait3A_324, %dma_wait3A_325, %dma_wait3A_326] : memref<16x8x128xf32, #tpu.memory_space<vmem>> -> memref<1x8x128xf32, #tpu.memory_space<vmem>>
      %dma_wait3A_328 = tpu.memref_squeeze %dma_wait3A_327 : memref<1x8x128xf32, #tpu.memory_space<vmem>> -> memref<8x128xf32, #tpu.memory_space<vmem>>
      %dma_wait3A_329 = tpu.memref_slice %arg2[%multiple_of3A_79, %multiple_of3A_82] : memref<64x1000000xf32, #tpu.memory_space<hbm>> -> memref<8x128xf32, #tpu.memory_space<hbm>>
      %dma_wait3A_330 = arith.constant 0 : i32
      %dma_wait3A_331 = arith.constant 0 : i32
      %dma_wait3A_332 = tpu.memref_slice %arg7[%dma_wait3A_324, %dma_wait3A_330, %dma_wait3A_331] : memref<16x8x128xf32, #tpu.memory_space<vmem>> -> memref<1x8x128xf32, #tpu.memory_space<vmem>>
      %dma_wait3A_333 = tpu.memref_squeeze %dma_wait3A_332 : memref<1x8x128xf32, #tpu.memory_space<vmem>> -> memref<8x128xf32, #tpu.memory_space<vmem>>
      %dma_wait3A_334 = tpu.memref_slice %arg2[%multiple_of3A_79, %multiple_of3A_82] : memref<64x1000000xf32, #tpu.memory_space<hbm>> -> memref<8x128xf32, #tpu.memory_space<hbm>>
      tpu.wait_dma2 semaphore(%arg9 : memref<!tpu.dma_semaphore, #tpu.memory_space<semaphore_mem>>) src(%dma_wait3A_334 : memref<8x128xf32, #tpu.memory_space<hbm>>) dst(%dma_wait3A_333 : memref<8x128xf32, #tpu.memory_space<vmem>>)
      %dma_wait3A_335 = arith.constant 5 : i32
      %dma_wait3A_336 = arith.constant 0 : i32
      %dma_wait3A_337 = arith.constant 0 : i32
      %dma_wait3A_338 = tpu.memref_slice %arg7[%dma_wait3A_335, %dma_wait3A_336, %dma_wait3A_337] : memref<16x8x128xf32, #tpu.memory_space<vmem>> -> memref<1x8x128xf32, #tpu.memory_space<vmem>>
      %dma_wait3A_339 = tpu.memref_squeeze %dma_wait3A_338 : memref<1x8x128xf32, #tpu.memory_space<vmem>> -> memref<8x128xf32, #tpu.memory_space<vmem>>
      %dma_wait3A_340 = tpu.memref_slice %arg2[%multiple_of3A_96, %multiple_of3A_99] : memref<64x1000000xf32, #tpu.memory_space<hbm>> -> memref<8x128xf32, #tpu.memory_space<hbm>>
      %dma_wait3A_341 = arith.constant 0 : i32
      %dma_wait3A_342 = arith.constant 0 : i32
      %dma_wait3A_343 = tpu.memref_slice %arg7[%dma_wait3A_335, %dma_wait3A_341, %dma_wait3A_342] : memref<16x8x128xf32, #tpu.memory_space<vmem>> -> memref<1x8x128xf32, #tpu.memory_space<vmem>>
      %dma_wait3A_344 = tpu.memref_squeeze %dma_wait3A_343 : memref<1x8x128xf32, #tpu.memory_space<vmem>> -> memref<8x128xf32, #tpu.memory_space<vmem>>
      %dma_wait3A_345 = tpu.memref_slice %arg2[%multiple_of3A_96, %multiple_of3A_99] : memref<64x1000000xf32, #tpu.memory_space<hbm>> -> memref<8x128xf32, #tpu.memory_space<hbm>>
      tpu.wait_dma2 semaphore(%arg9 : memref<!tpu.dma_semaphore, #tpu.memory_space<semaphore_mem>>) src(%dma_wait3A_345 : memref<8x128xf32, #tpu.memory_space<hbm>>) dst(%dma_wait3A_344 : memref<8x128xf32, #tpu.memory_space<vmem>>)
      %dma_wait3A_346 = arith.constant 6 : i32
      %dma_wait3A_347 = arith.constant 0 : i32
      %dma_wait3A_348 = arith.constant 0 : i32
      %dma_wait3A_349 = tpu.memref_slice %arg7[%dma_wait3A_346, %dma_wait3A_347, %dma_wait3A_348] : memref<16x8x128xf32, #tpu.memory_space<vmem>> -> memref<1x8x128xf32, #tpu.memory_space<vmem>>
      %dma_wait3A_350 = tpu.memref_squeeze %dma_wait3A_349 : memref<1x8x128xf32, #tpu.memory_space<vmem>> -> memref<8x128xf32, #tpu.memory_space<vmem>>
      %dma_wait3A_351 = tpu.memref_slice %arg2[%multiple_of3A_113, %multiple_of3A_116] : memref<64x1000000xf32, #tpu.memory_space<hbm>> -> memref<8x128xf32, #tpu.memory_space<hbm>>
      %dma_wait3A_352 = arith.constant 0 : i32
      %dma_wait3A_353 = arith.constant 0 : i32
      %dma_wait3A_354 = tpu.memref_slice %arg7[%dma_wait3A_346, %dma_wait3A_352, %dma_wait3A_353] : memref<16x8x128xf32, #tpu.memory_space<vmem>> -> memref<1x8x128xf32, #tpu.memory_space<vmem>>
      %dma_wait3A_355 = tpu.memref_squeeze %dma_wait3A_354 : memref<1x8x128xf32, #tpu.memory_space<vmem>> -> memref<8x128xf32, #tpu.memory_space<vmem>>
      %dma_wait3A_356 = tpu.memref_slice %arg2[%multiple_of3A_113, %multiple_of3A_116] : memref<64x1000000xf32, #tpu.memory_space<hbm>> -> memref<8x128xf32, #tpu.memory_space<hbm>>
      tpu.wait_dma2 semaphore(%arg9 : memref<!tpu.dma_semaphore, #tpu.memory_space<semaphore_mem>>) src(%dma_wait3A_356 : memref<8x128xf32, #tpu.memory_space<hbm>>) dst(%dma_wait3A_355 : memref<8x128xf32, #tpu.memory_space<vmem>>)
      %dma_wait3A_357 = arith.constant 7 : i32
      %dma_wait3A_358 = arith.constant 0 : i32
      %dma_wait3A_359 = arith.constant 0 : i32
      %dma_wait3A_360 = tpu.memref_slice %arg7[%dma_wait3A_357, %dma_wait3A_358, %dma_wait3A_359] : memref<16x8x128xf32, #tpu.memory_space<vmem>> -> memref<1x8x128xf32, #tpu.memory_space<vmem>>
      %dma_wait3A_361 = tpu.memref_squeeze %dma_wait3A_360 : memref<1x8x128xf32, #tpu.memory_space<vmem>> -> memref<8x128xf32, #tpu.memory_space<vmem>>
      %dma_wait3A_362 = tpu.memref_slice %arg2[%multiple_of3A_130, %multiple_of3A_133] : memref<64x1000000xf32, #tpu.memory_space<hbm>> -> memref<8x128xf32, #tpu.memory_space<hbm>>
      %dma_wait3A_363 = arith.constant 0 : i32
      %dma_wait3A_364 = arith.constant 0 : i32
      %dma_wait3A_365 = tpu.memref_slice %arg7[%dma_wait3A_357, %dma_wait3A_363, %dma_wait3A_364] : memref<16x8x128xf32, #tpu.memory_space<vmem>> -> memref<1x8x128xf32, #tpu.memory_space<vmem>>
      %dma_wait3A_366 = tpu.memref_squeeze %dma_wait3A_365 : memref<1x8x128xf32, #tpu.memory_space<vmem>> -> memref<8x128xf32, #tpu.memory_space<vmem>>
      %dma_wait3A_367 = tpu.memref_slice %arg2[%multiple_of3A_130, %multiple_of3A_133] : memref<64x1000000xf32, #tpu.memory_space<hbm>> -> memref<8x128xf32, #tpu.memory_space<hbm>>
      tpu.wait_dma2 semaphore(%arg9 : memref<!tpu.dma_semaphore, #tpu.memory_space<semaphore_mem>>) src(%dma_wait3A_367 : memref<8x128xf32, #tpu.memory_space<hbm>>) dst(%dma_wait3A_366 : memref<8x128xf32, #tpu.memory_space<vmem>>)
      %dma_wait3A_368 = arith.constant 8 : i32
      %dma_wait3A_369 = arith.constant 0 : i32
      %dma_wait3A_370 = arith.constant 0 : i32
      %dma_wait3A_371 = tpu.memref_slice %arg7[%dma_wait3A_368, %dma_wait3A_369, %dma_wait3A_370] : memref<16x8x128xf32, #tpu.memory_space<vmem>> -> memref<1x8x128xf32, #tpu.memory_space<vmem>>
      %dma_wait3A_372 = tpu.memref_squeeze %dma_wait3A_371 : memref<1x8x128xf32, #tpu.memory_space<vmem>> -> memref<8x128xf32, #tpu.memory_space<vmem>>
      %dma_wait3A_373 = tpu.memref_slice %arg2[%multiple_of3A_147, %multiple_of3A_150] : memref<64x1000000xf32, #tpu.memory_space<hbm>> -> memref<8x128xf32, #tpu.memory_space<hbm>>
      %dma_wait3A_374 = arith.constant 0 : i32
      %dma_wait3A_375 = arith.constant 0 : i32
      %dma_wait3A_376 = tpu.memref_slice %arg7[%dma_wait3A_368, %dma_wait3A_374, %dma_wait3A_375] : memref<16x8x128xf32, #tpu.memory_space<vmem>> -> memref<1x8x128xf32, #tpu.memory_space<vmem>>
      %dma_wait3A_377 = tpu.memref_squeeze %dma_wait3A_376 : memref<1x8x128xf32, #tpu.memory_space<vmem>> -> memref<8x128xf32, #tpu.memory_space<vmem>>
      %dma_wait3A_378 = tpu.memref_slice %arg2[%multiple_of3A_147, %multiple_of3A_150] : memref<64x1000000xf32, #tpu.memory_space<hbm>> -> memref<8x128xf32, #tpu.memory_space<hbm>>
      tpu.wait_dma2 semaphore(%arg9 : memref<!tpu.dma_semaphore, #tpu.memory_space<semaphore_mem>>) src(%dma_wait3A_378 : memref<8x128xf32, #tpu.memory_space<hbm>>) dst(%dma_wait3A_377 : memref<8x128xf32, #tpu.memory_space<vmem>>)
      %dma_wait3A_379 = arith.constant 9 : i32
      %dma_wait3A_380 = arith.constant 0 : i32
      %dma_wait3A_381 = arith.constant 0 : i32
      %dma_wait3A_382 = tpu.memref_slice %arg7[%dma_wait3A_379, %dma_wait3A_380, %dma_wait3A_381] : memref<16x8x128xf32, #tpu.memory_space<vmem>> -> memref<1x8x128xf32, #tpu.memory_space<vmem>>
      %dma_wait3A_383 = tpu.memref_squeeze %dma_wait3A_382 : memref<1x8x128xf32, #tpu.memory_space<vmem>> -> memref<8x128xf32, #tpu.memory_space<vmem>>
      %dma_wait3A_384 = tpu.memref_slice %arg2[%multiple_of3A_164, %multiple_of3A_167] : memref<64x1000000xf32, #tpu.memory_space<hbm>> -> memref<8x128xf32, #tpu.memory_space<hbm>>
      %dma_wait3A_385 = arith.constant 0 : i32
      %dma_wait3A_386 = arith.constant 0 : i32
      %dma_wait3A_387 = tpu.memref_slice %arg7[%dma_wait3A_379, %dma_wait3A_385, %dma_wait3A_386] : memref<16x8x128xf32, #tpu.memory_space<vmem>> -> memref<1x8x128xf32, #tpu.memory_space<vmem>>
      %dma_wait3A_388 = tpu.memref_squeeze %dma_wait3A_387 : memref<1x8x128xf32, #tpu.memory_space<vmem>> -> memref<8x128xf32, #tpu.memory_space<vmem>>
      %dma_wait3A_389 = tpu.memref_slice %arg2[%multiple_of3A_164, %multiple_of3A_167] : memref<64x1000000xf32, #tpu.memory_space<hbm>> -> memref<8x128xf32, #tpu.memory_space<hbm>>
      tpu.wait_dma2 semaphore(%arg9 : memref<!tpu.dma_semaphore, #tpu.memory_space<semaphore_mem>>) src(%dma_wait3A_389 : memref<8x128xf32, #tpu.memory_space<hbm>>) dst(%dma_wait3A_388 : memref<8x128xf32, #tpu.memory_space<vmem>>)
      %dma_wait3A_390 = arith.constant 10 : i32
      %dma_wait3A_391 = arith.constant 0 : i32
      %dma_wait3A_392 = arith.constant 0 : i32
      %dma_wait3A_393 = tpu.memref_slice %arg7[%dma_wait3A_390, %dma_wait3A_391, %dma_wait3A_392] : memref<16x8x128xf32, #tpu.memory_space<vmem>> -> memref<1x8x128xf32, #tpu.memory_space<vmem>>
      %dma_wait3A_394 = tpu.memref_squeeze %dma_wait3A_393 : memref<1x8x128xf32, #tpu.memory_space<vmem>> -> memref<8x128xf32, #tpu.memory_space<vmem>>
      %dma_wait3A_395 = tpu.memref_slice %arg2[%multiple_of3A_181, %multiple_of3A_184] : memref<64x1000000xf32, #tpu.memory_space<hbm>> -> memref<8x128xf32, #tpu.memory_space<hbm>>
      %dma_wait3A_396 = arith.constant 0 : i32
      %dma_wait3A_397 = arith.constant 0 : i32
      %dma_wait3A_398 = tpu.memref_slice %arg7[%dma_wait3A_390, %dma_wait3A_396, %dma_wait3A_397] : memref<16x8x128xf32, #tpu.memory_space<vmem>> -> memref<1x8x128xf32, #tpu.memory_space<vmem>>
      %dma_wait3A_399 = tpu.memref_squeeze %dma_wait3A_398 : memref<1x8x128xf32, #tpu.memory_space<vmem>> -> memref<8x128xf32, #tpu.memory_space<vmem>>
      %dma_wait3A_400 = tpu.memref_slice %arg2[%multiple_of3A_181, %multiple_of3A_184] : memref<64x1000000xf32, #tpu.memory_space<hbm>> -> memref<8x128xf32, #tpu.memory_space<hbm>>
      tpu.wait_dma2 semaphore(%arg9 : memref<!tpu.dma_semaphore, #tpu.memory_space<semaphore_mem>>) src(%dma_wait3A_400 : memref<8x128xf32, #tpu.memory_space<hbm>>) dst(%dma_wait3A_399 : memref<8x128xf32, #tpu.memory_space<vmem>>)
      %dma_wait3A_401 = arith.constant 11 : i32
      %dma_wait3A_402 = arith.constant 0 : i32
      %dma_wait3A_403 = arith.constant 0 : i32
      %dma_wait3A_404 = tpu.memref_slice %arg7[%dma_wait3A_401, %dma_wait3A_402, %dma_wait3A_403] : memref<16x8x128xf32, #tpu.memory_space<vmem>> -> memref<1x8x128xf32, #tpu.memory_space<vmem>>
      %dma_wait3A_405 = tpu.memref_squeeze %dma_wait3A_404 : memref<1x8x128xf32, #tpu.memory_space<vmem>> -> memref<8x128xf32, #tpu.memory_space<vmem>>
      %dma_wait3A_406 = tpu.memref_slice %arg2[%multiple_of3A_198, %multiple_of3A_201] : memref<64x1000000xf32, #tpu.memory_space<hbm>> -> memref<8x128xf32, #tpu.memory_space<hbm>>
      %dma_wait3A_407 = arith.constant 0 : i32
      %dma_wait3A_408 = arith.constant 0 : i32
      %dma_wait3A_409 = tpu.memref_slice %arg7[%dma_wait3A_401, %dma_wait3A_407, %dma_wait3A_408] : memref<16x8x128xf32, #tpu.memory_space<vmem>> -> memref<1x8x128xf32, #tpu.memory_space<vmem>>
      %dma_wait3A_410 = tpu.memref_squeeze %dma_wait3A_409 : memref<1x8x128xf32, #tpu.memory_space<vmem>> -> memref<8x128xf32, #tpu.memory_space<vmem>>
      %dma_wait3A_411 = tpu.memref_slice %arg2[%multiple_of3A_198, %multiple_of3A_201] : memref<64x1000000xf32, #tpu.memory_space<hbm>> -> memref<8x128xf32, #tpu.memory_space<hbm>>
      tpu.wait_dma2 semaphore(%arg9 : memref<!tpu.dma_semaphore, #tpu.memory_space<semaphore_mem>>) src(%dma_wait3A_411 : memref<8x128xf32, #tpu.memory_space<hbm>>) dst(%dma_wait3A_410 : memref<8x128xf32, #tpu.memory_space<vmem>>)
      %dma_wait3A_412 = arith.constant 12 : i32
      %dma_wait3A_413 = arith.constant 0 : i32
      %dma_wait3A_414 = arith.constant 0 : i32
      %dma_wait3A_415 = tpu.memref_slice %arg7[%dma_wait3A_412, %dma_wait3A_413, %dma_wait3A_414] : memref<16x8x128xf32, #tpu.memory_space<vmem>> -> memref<1x8x128xf32, #tpu.memory_space<vmem>>
      %dma_wait3A_416 = tpu.memref_squeeze %dma_wait3A_415 : memref<1x8x128xf32, #tpu.memory_space<vmem>> -> memref<8x128xf32, #tpu.memory_space<vmem>>
      %dma_wait3A_417 = tpu.memref_slice %arg2[%multiple_of3A_215, %multiple_of3A_218] : memref<64x1000000xf32, #tpu.memory_space<hbm>> -> memref<8x128xf32, #tpu.memory_space<hbm>>
      %dma_wait3A_418 = arith.constant 0 : i32
      %dma_wait3A_419 = arith.constant 0 : i32
      %dma_wait3A_420 = tpu.memref_slice %arg7[%dma_wait3A_412, %dma_wait3A_418, %dma_wait3A_419] : memref<16x8x128xf32, #tpu.memory_space<vmem>> -> memref<1x8x128xf32, #tpu.memory_space<vmem>>
      %dma_wait3A_421 = tpu.memref_squeeze %dma_wait3A_420 : memref<1x8x128xf32, #tpu.memory_space<vmem>> -> memref<8x128xf32, #tpu.memory_space<vmem>>
      %dma_wait3A_422 = tpu.memref_slice %arg2[%multiple_of3A_215, %multiple_of3A_218] : memref<64x1000000xf32, #tpu.memory_space<hbm>> -> memref<8x128xf32, #tpu.memory_space<hbm>>
      tpu.wait_dma2 semaphore(%arg9 : memref<!tpu.dma_semaphore, #tpu.memory_space<semaphore_mem>>) src(%dma_wait3A_422 : memref<8x128xf32, #tpu.memory_space<hbm>>) dst(%dma_wait3A_421 : memref<8x128xf32, #tpu.memory_space<vmem>>)
      %dma_wait3A_423 = arith.constant 13 : i32
      %dma_wait3A_424 = arith.constant 0 : i32
      %dma_wait3A_425 = arith.constant 0 : i32
      %dma_wait3A_426 = tpu.memref_slice %arg7[%dma_wait3A_423, %dma_wait3A_424, %dma_wait3A_425] : memref<16x8x128xf32, #tpu.memory_space<vmem>> -> memref<1x8x128xf32, #tpu.memory_space<vmem>>
      %dma_wait3A_427 = tpu.memref_squeeze %dma_wait3A_426 : memref<1x8x128xf32, #tpu.memory_space<vmem>> -> memref<8x128xf32, #tpu.memory_space<vmem>>
      %dma_wait3A_428 = tpu.memref_slice %arg2[%multiple_of3A_232, %multiple_of3A_235] : memref<64x1000000xf32, #tpu.memory_space<hbm>> -> memref<8x128xf32, #tpu.memory_space<hbm>>
      %dma_wait3A_429 = arith.constant 0 : i32
      %dma_wait3A_430 = arith.constant 0 : i32
      %dma_wait3A_431 = tpu.memref_slice %arg7[%dma_wait3A_423, %dma_wait3A_429, %dma_wait3A_430] : memref<16x8x128xf32, #tpu.memory_space<vmem>> -> memref<1x8x128xf32, #tpu.memory_space<vmem>>
      %dma_wait3A_432 = tpu.memref_squeeze %dma_wait3A_431 : memref<1x8x128xf32, #tpu.memory_space<vmem>> -> memref<8x128xf32, #tpu.memory_space<vmem>>
      %dma_wait3A_433 = tpu.memref_slice %arg2[%multiple_of3A_232, %multiple_of3A_235] : memref<64x1000000xf32, #tpu.memory_space<hbm>> -> memref<8x128xf32, #tpu.memory_space<hbm>>
      tpu.wait_dma2 semaphore(%arg9 : memref<!tpu.dma_semaphore, #tpu.memory_space<semaphore_mem>>) src(%dma_wait3A_433 : memref<8x128xf32, #tpu.memory_space<hbm>>) dst(%dma_wait3A_432 : memref<8x128xf32, #tpu.memory_space<vmem>>)
      %dma_wait3A_434 = arith.constant 14 : i32
      %dma_wait3A_435 = arith.constant 0 : i32
      %dma_wait3A_436 = arith.constant 0 : i32
      %dma_wait3A_437 = tpu.memref_slice %arg7[%dma_wait3A_434, %dma_wait3A_435, %dma_wait3A_436] : memref<16x8x128xf32, #tpu.memory_space<vmem>> -> memref<1x8x128xf32, #tpu.memory_space<vmem>>
      %dma_wait3A_438 = tpu.memref_squeeze %dma_wait3A_437 : memref<1x8x128xf32, #tpu.memory_space<vmem>> -> memref<8x128xf32, #tpu.memory_space<vmem>>
      %dma_wait3A_439 = tpu.memref_slice %arg2[%multiple_of3A_249, %multiple_of3A_252] : memref<64x1000000xf32, #tpu.memory_space<hbm>> -> memref<8x128xf32, #tpu.memory_space<hbm>>
      %dma_wait3A_440 = arith.constant 0 : i32
      %dma_wait3A_441 = arith.constant 0 : i32
      %dma_wait3A_442 = tpu.memref_slice %arg7[%dma_wait3A_434, %dma_wait3A_440, %dma_wait3A_441] : memref<16x8x128xf32, #tpu.memory_space<vmem>> -> memref<1x8x128xf32, #tpu.memory_space<vmem>>
      %dma_wait3A_443 = tpu.memref_squeeze %dma_wait3A_442 : memref<1x8x128xf32, #tpu.memory_space<vmem>> -> memref<8x128xf32, #tpu.memory_space<vmem>>
      %dma_wait3A_444 = tpu.memref_slice %arg2[%multiple_of3A_249, %multiple_of3A_252] : memref<64x1000000xf32, #tpu.memory_space<hbm>> -> memref<8x128xf32, #tpu.memory_space<hbm>>
      tpu.wait_dma2 semaphore(%arg9 : memref<!tpu.dma_semaphore, #tpu.memory_space<semaphore_mem>>) src(%dma_wait3A_444 : memref<8x128xf32, #tpu.memory_space<hbm>>) dst(%dma_wait3A_443 : memref<8x128xf32, #tpu.memory_space<vmem>>)
      %dma_wait3A_445 = arith.constant 15 : i32
      %dma_wait3A_446 = arith.constant 0 : i32
      %dma_wait3A_447 = arith.constant 0 : i32
      %dma_wait3A_448 = tpu.memref_slice %arg7[%dma_wait3A_445, %dma_wait3A_446, %dma_wait3A_447] : memref<16x8x128xf32, #tpu.memory_space<vmem>> -> memref<1x8x128xf32, #tpu.memory_space<vmem>>
      %dma_wait3A_449 = tpu.memref_squeeze %dma_wait3A_448 : memref<1x8x128xf32, #tpu.memory_space<vmem>> -> memref<8x128xf32, #tpu.memory_space<vmem>>
      %dma_wait3A_450 = tpu.memref_slice %arg2[%multiple_of3A_266, %multiple_of3A_269] : memref<64x1000000xf32, #tpu.memory_space<hbm>> -> memref<8x128xf32, #tpu.memory_space<hbm>>
      %dma_wait3A_451 = arith.constant 0 : i32
      %dma_wait3A_452 = arith.constant 0 : i32
      %dma_wait3A_453 = tpu.memref_slice %arg7[%dma_wait3A_445, %dma_wait3A_451, %dma_wait3A_452] : memref<16x8x128xf32, #tpu.memory_space<vmem>> -> memref<1x8x128xf32, #tpu.memory_space<vmem>>
      %dma_wait3A_454 = tpu.memref_squeeze %dma_wait3A_453 : memref<1x8x128xf32, #tpu.memory_space<vmem>> -> memref<8x128xf32, #tpu.memory_space<vmem>>
      %dma_wait3A_455 = tpu.memref_slice %arg2[%multiple_of3A_266, %multiple_of3A_269] : memref<64x1000000xf32, #tpu.memory_space<hbm>> -> memref<8x128xf32, #tpu.memory_space<hbm>>
      tpu.wait_dma2 semaphore(%arg9 : memref<!tpu.dma_semaphore, #tpu.memory_space<semaphore_mem>>) src(%dma_wait3A_455 : memref<8x128xf32, #tpu.memory_space<hbm>>) dst(%dma_wait3A_454 : memref<8x128xf32, #tpu.memory_space<vmem>>)
      "tpu.region"() ({
        %run_scoped3A = tpu.sem_alloc : memref<!tpu.dma_semaphore, #tpu.memory_space<semaphore_mem>>
        %dma_start3A_456 = arith.constant 0 : i32
        %dma_start3A_457 = arith.constant 0 : i32
        %dma_start3A_458 = tpu.memref_slice %arg4[%mul3A_4, %dma_start3A_456, %dma_start3A_457] : memref<64x8x128xf32, #tpu.memory_space<hbm>> -> memref<16x8x128xf32, #tpu.memory_space<hbm>>
        %dma_start3A_459 = arith.constant 0 : i32
        %dma_start3A_460 = arith.constant 0 : i32
        %dma_start3A_461 = tpu.memref_slice %arg4[%mul3A_4, %dma_start3A_459, %dma_start3A_460] : memref<64x8x128xf32, #tpu.memory_space<hbm>> -> memref<16x8x128xf32, #tpu.memory_space<hbm>>
        tpu.enqueue_dma source(%arg7 : memref<16x8x128xf32, #tpu.memory_space<vmem>>) target(%dma_start3A_461 : memref<16x8x128xf32, #tpu.memory_space<hbm>>) target_semaphore(%run_scoped3A : memref<!tpu.dma_semaphore, #tpu.memory_space<semaphore_mem>>)
        %dma_wait3A_462 = arith.constant 0 : i32
        %dma_wait3A_463 = arith.constant 0 : i32
        %dma_wait3A_464 = tpu.memref_slice %arg4[%mul3A_4, %dma_wait3A_462, %dma_wait3A_463] : memref<64x8x128xf32, #tpu.memory_space<hbm>> -> memref<16x8x128xf32, #tpu.memory_space<hbm>>
        %dma_wait3A_465 = arith.constant 0 : i32
        %dma_wait3A_466 = arith.constant 0 : i32
        %dma_wait3A_467 = tpu.memref_slice %arg4[%mul3A_4, %dma_wait3A_465, %dma_wait3A_466] : memref<64x8x128xf32, #tpu.memory_space<hbm>> -> memref<16x8x128xf32, #tpu.memory_space<hbm>>
        tpu.wait_dma2 semaphore(%run_scoped3A : memref<!tpu.dma_semaphore, #tpu.memory_space<semaphore_mem>>) src(%arg7 : memref<16x8x128xf32, #tpu.memory_space<vmem>>) dst(%dma_wait3A_467 : memref<16x8x128xf32, #tpu.memory_space<hbm>>)
        tpu.yield
      }) : () -> ()
      "tpu.region"() ({
        %run_scoped3A = tpu.sem_alloc : memref<!tpu.dma_semaphore, #tpu.memory_space<semaphore_mem>>
        %dma_start3A_456 = arith.constant 999936 : i32
        %dma_start3A_457 = tpu.memref_slice %arg2[%mul3A_4, %dma_start3A_456] : memref<64x1000000xf32, #tpu.memory_space<hbm>> -> memref<16x64xf32, #tpu.memory_space<hbm>>
        %dma_start3A_458 = arith.constant 999936 : i32
        %dma_start3A_459 = tpu.memref_slice %arg2[%mul3A_4, %dma_start3A_458] : memref<64x1000000xf32, #tpu.memory_space<hbm>> -> memref<16x64xf32, #tpu.memory_space<hbm>>
        tpu.enqueue_dma source(%dma_start3A_459 : memref<16x64xf32, #tpu.memory_space<hbm>>) target(%arg8 : memref<16x64xf32, #tpu.memory_space<vmem>>) target_semaphore(%run_scoped3A : memref<!tpu.dma_semaphore, #tpu.memory_space<semaphore_mem>>)
        %dma_wait3A_460 = arith.constant 999936 : i32
        %dma_wait3A_461 = tpu.memref_slice %arg2[%mul3A_4, %dma_wait3A_460] : memref<64x1000000xf32, #tpu.memory_space<hbm>> -> memref<16x64xf32, #tpu.memory_space<hbm>>
        %dma_wait3A_462 = arith.constant 999936 : i32
        %dma_wait3A_463 = tpu.memref_slice %arg2[%mul3A_4, %dma_wait3A_462] : memref<64x1000000xf32, #tpu.memory_space<hbm>> -> memref<16x64xf32, #tpu.memory_space<hbm>>
        tpu.wait_dma2 semaphore(%run_scoped3A : memref<!tpu.dma_semaphore, #tpu.memory_space<semaphore_mem>>) src(%dma_wait3A_463 : memref<16x64xf32, #tpu.memory_space<hbm>>) dst(%arg8 : memref<16x64xf32, #tpu.memory_space<vmem>>)
        tpu.yield
      }) : () -> ()
      "tpu.region"() ({
        %run_scoped3A = tpu.sem_alloc : memref<!tpu.dma_semaphore, #tpu.memory_space<semaphore_mem>>
        %dma_start3A_456 = arith.constant 0 : i32
        %dma_start3A_457 = tpu.memref_slice %arg5[%mul3A_4, %dma_start3A_456] : memref<64x64xf32, #tpu.memory_space<hbm>> -> memref<16x64xf32, #tpu.memory_space<hbm>>
        %dma_start3A_458 = arith.constant 0 : i32
        %dma_start3A_459 = tpu.memref_slice %arg5[%mul3A_4, %dma_start3A_458] : memref<64x64xf32, #tpu.memory_space<hbm>> -> memref<16x64xf32, #tpu.memory_space<hbm>>
        tpu.enqueue_dma source(%arg8 : memref<16x64xf32, #tpu.memory_space<vmem>>) target(%dma_start3A_459 : memref<16x64xf32, #tpu.memory_space<hbm>>) target_semaphore(%run_scoped3A : memref<!tpu.dma_semaphore, #tpu.memory_space<semaphore_mem>>)
        %dma_wait3A_460 = arith.constant 0 : i32
        %dma_wait3A_461 = tpu.memref_slice %arg5[%mul3A_4, %dma_wait3A_460] : memref<64x64xf32, #tpu.memory_space<hbm>> -> memref<16x64xf32, #tpu.memory_space<hbm>>
        %dma_wait3A_462 = arith.constant 0 : i32
        %dma_wait3A_463 = tpu.memref_slice %arg5[%mul3A_4, %dma_wait3A_462] : memref<64x64xf32, #tpu.memory_space<hbm>> -> memref<16x64xf32, #tpu.memory_space<hbm>>
        tpu.wait_dma2 semaphore(%run_scoped3A : memref<!tpu.dma_semaphore, #tpu.memory_space<semaphore_mem>>) src(%arg8 : memref<16x64xf32, #tpu.memory_space<vmem>>) dst(%dma_wait3A_463 : memref<16x64xf32, #tpu.memory_space<hbm>>)
        tpu.yield
      }) : () -> ()
    } else {
    }
    return
  }
}

module attributes {stable_mosaic.version = 14 : i64} {
  func.func @_count_body(%arg0: i32, %arg1: memref<64x8x128xf32, #tpu.memory_space<vmem>>, %arg2: memref<64x64xf32, #tpu.memory_space<vmem>>, %arg3: memref<64x1xi32, #tpu.memory_space<vmem>>, %arg4: memref<64x16384xf32, #tpu.memory_space<vmem>>, %arg5: memref<1x1xi32, #tpu.memory_space<vmem>>, %arg6: memref<1x1xi32, #tpu.memory_space<vmem>>, %arg7: memref<64x16384xi32, #tpu.memory_space<vmem>>, %arg8: memref<64x1xf32, #tpu.memory_space<vmem>>, %arg9: memref<64x1xf32, #tpu.memory_space<vmem>>, %arg10: memref<64x16384xi32, #tpu.memory_space<vmem>>) attributes {dimension_semantics = [#tpu.dimension_semantics<arbitrary>], iteration_bounds = array<i64: 62>, scalar_prefetch = 0 : i64, scratch_operands = 4 : i64, tpu.core_type = #tpu.core_type<tc>, window_params = [{pipeline_mode = #tpu.pipeline_mode<synchronous>, transform_indices = @transform_0, window_bounds = array<i64: 64, 8, 128>}, {pipeline_mode = #tpu.pipeline_mode<synchronous>, transform_indices = @transform_1, window_bounds = array<i64: 64, 64>}, {pipeline_mode = #tpu.pipeline_mode<synchronous>, transform_indices = @transform_2, window_bounds = array<i64: 64, 1>}, {transform_indices = @transform_3, window_bounds = array<i64: 64, 16384>}, {pipeline_mode = #tpu.pipeline_mode<synchronous>, transform_indices = @transform_4, window_bounds = array<i64: 1, 1>}, {pipeline_mode = #tpu.pipeline_mode<synchronous>, transform_indices = @transform_5, window_bounds = array<i64: 1, 1>}]} {
    %get3A = arith.constant 0 : index
    %get3A_0 = arith.constant 0 : index
    %get3A_1 = vector.load %arg3[%get3A, %get3A_0] : memref<64x1xi32, #tpu.memory_space<vmem>>, vector<64x1xi32>
    %eq3A = arith.constant 0 : i32
    %eq3A_2 = arith.cmpi eq, %arg0, %eq3A : i32
    %convert_element_type3A = arith.extui %eq3A_2 : i1 to i32
    %cond3A = arith.constant 0 : i32
    %cond3A_3 = arith.cmpi ne, %convert_element_type3A, %cond3A : i32
    scf.if %cond3A_3 {
      %broadcast_in_dim3A_32 = arith.constant 0 : i32
      %broadcast_in_dim3A_33 = vector.broadcast %broadcast_in_dim3A_32 : i32 to vector<64x16384xi32>
      %swap3A = arith.constant 0 : index
      %swap3A_34 = arith.constant 0 : index
      %swap3A_35 = vector.load %arg7[%swap3A, %swap3A_34] : memref<64x16384xi32, #tpu.memory_space<vmem>>, vector<64x16384xi32>
      tpu.vector_store %arg7[%swap3A, %swap3A_34], %broadcast_in_dim3A_33 {strides = array<i32>} : memref<64x16384xi32, #tpu.memory_space<vmem>>, vector<64x16384xi32>,
      %iota3A = tpu.iota {dimensions = array<i32: 1>} : vector<64x16384xi32>
      %swap3A_36 = arith.constant 0 : index
      %swap3A_37 = arith.constant 0 : index
      %swap3A_38 = vector.load %arg10[%swap3A_36, %swap3A_37] : memref<64x16384xi32, #tpu.memory_space<vmem>>, vector<64x16384xi32>
      tpu.vector_store %arg10[%swap3A_36, %swap3A_37], %iota3A {strides = array<i32>} : memref<64x16384xi32, #tpu.memory_space<vmem>>, vector<64x16384xi32>,
      %reshape3A = vector.shape_cast %get3A_1 : vector<64x1xi32> to vector<64x1x1xi32>
      %iota3A_39 = tpu.iota {dimensions = array<i32: 0>} : vector<64x8x128xi32>
      %iota3A_40 = tpu.iota {dimensions = array<i32: 1>} : vector<64x8x128xi32>
      %iota3A_41 = tpu.iota {dimensions = array<i32: 2>} : vector<64x8x128xi32>
      %and3A = arith.constant 7 : i32
      %and3A_42 = vector.broadcast %and3A : i32 to vector<64x8x128xi32>
      %and3A_43 = arith.andi %iota3A_39, %and3A_42 : vector<64x8x128xi32>
      %eq3A_44 = arith.cmpi eq, %iota3A_40, %and3A_43 : vector<64x8x128xi32>
      %and3A_45 = arith.constant 127 : i32
      %and3A_46 = vector.broadcast %and3A_45 : i32 to vector<64x1x1xi32>
      %and3A_47 = arith.andi %reshape3A, %and3A_46 : vector<64x1x1xi32>
      %eq3A_48 = vector.broadcast %and3A_47 : vector<64x1x1xi32> to vector<64x8x128xi32>
      %eq3A_49 = arith.cmpi eq, %iota3A_41, %eq3A_48 : vector<64x8x128xi32>
      %and3A_50 = arith.andi %eq3A_44, %eq3A_49 : vector<64x8x128xi1>
      %get3A_51 = arith.constant 0 : index
      %get3A_52 = arith.constant 0 : index
      %get3A_53 = arith.constant 0 : index
      %get3A_54 = vector.load %arg1[%get3A_51, %get3A_52, %get3A_53] : memref<64x8x128xf32, #tpu.memory_space<vmem>>, vector<64x8x128xf32>
      %jit3A = arith.constant 0.000000e+00 : f32
      %broadcast_in_dim3A_55 = vector.broadcast %jit3A : f32 to vector<64x8x128xf32>
      %select_n3A_56 = arith.select %and3A_50, %get3A_54, %broadcast_in_dim3A_55 : vector<64x8x128xi1>, vector<64x8x128xf32>
      %reduce_sum3A = arith.constant dense<0.000000e+00> : vector<64xf32>
      %reduce_sum3A_57 = vector.multi_reduction <add>, %select_n3A_56, %reduce_sum3A [1, 2] : vector<64x8x128xf32> to vector<64xf32>
      %iota3A_58 = tpu.iota {dimensions = array<i32: 1>} : vector<64x64xi32>
      %sub3A_59 = arith.constant 999936 : i32
      %sub3A_60 = vector.broadcast %sub3A_59 : i32 to vector<64x1xi32>
      %sub3A_61 = arith.subi %get3A_1, %sub3A_60 : vector<64x1xi32>
      %eq3A_62 = vector.broadcast %sub3A_61 : vector<64x1xi32> to vector<64x64xi32>
      %eq3A_63 = arith.cmpi eq, %iota3A_58, %eq3A_62 : vector<64x64xi32>
      %get3A_64 = arith.constant 0 : index
      %get3A_65 = arith.constant 0 : index
      %get3A_66 = vector.load %arg2[%get3A_64, %get3A_65] : memref<64x64xf32, #tpu.memory_space<vmem>>, vector<64x64xf32>
      %jit3A_67 = arith.constant 0.000000e+00 : f32
      %broadcast_in_dim3A_68 = vector.broadcast %jit3A_67 : f32 to vector<64x64xf32>
      %select_n3A_69 = arith.select %eq3A_63, %get3A_66, %broadcast_in_dim3A_68 : vector<64x64xi1>, vector<64x64xf32>
      %reduce_sum3A_70 = arith.constant dense<0.000000e+00> : vector<64xf32>
      %reduce_sum3A_71 = vector.multi_reduction <add>, %select_n3A_69, %reduce_sum3A_70 [1] : vector<64x64xf32> to vector<64xf32>
      %squeeze3A = vector.shape_cast %get3A_1 : vector<64x1xi32> to vector<64xi32>
      %ge3A = arith.constant 999936 : i32
      %ge3A_72 = vector.broadcast %ge3A : i32 to vector<64xi32>
      %ge3A_73 = arith.cmpi sge, %squeeze3A, %ge3A_72 : vector<64xi32>
      %select_n3A_74 = arith.select %ge3A_73, %reduce_sum3A_71, %reduce_sum3A_57 : vector<64xi1>, vector<64xf32>
      %reshape3A_75 = vector.shape_cast %select_n3A_74 : vector<64xf32> to vector<64x1xf32>
      %swap3A_76 = arith.constant 0 : index
      %swap3A_77 = arith.constant 0 : index
      %swap3A_78 = vector.load %arg8[%swap3A_76, %swap3A_77] : memref<64x1xf32, #tpu.memory_space<vmem>>, vector<64x1xf32>
      tpu.vector_store %arg8[%swap3A_76, %swap3A_77], %reshape3A_75 {strides = array<i32>} : memref<64x1xf32, #tpu.memory_space<vmem>>, vector<64x1xf32>,
      %bitcast_convert_type3A = tpu.bitcast %reshape3A_75 : vector<64x1xf32> -> vector<64x1xi32>
      %gt3A = arith.constant 0 : i32
      %gt3A_79 = vector.broadcast %gt3A : i32 to vector<64x1xi32>
      %gt3A_80 = arith.cmpi sgt, %bitcast_convert_type3A, %gt3A_79 : vector<64x1xi32>
      %sub3A_81 = arith.constant 1 : i32
      %sub3A_82 = vector.broadcast %sub3A_81 : i32 to vector<64x1xi32>
      %sub3A_83 = arith.subi %bitcast_convert_type3A, %sub3A_82 : vector<64x1xi32>
      %eq3A_84 = arith.constant 0 : i32
      %eq3A_85 = vector.broadcast %eq3A_84 : i32 to vector<64x1xi32>
      %eq3A_86 = arith.cmpi eq, %bitcast_convert_type3A, %eq3A_85 : vector<64x1xi32>
      %add3A = arith.constant 1 : i32
      %add3A_87 = vector.broadcast %add3A : i32 to vector<64x1xi32>
      %add3A_88 = arith.addi %bitcast_convert_type3A, %add3A_87 : vector<64x1xi32>
      %jit3A_89 = arith.constant -2147483647 : i32
      %broadcast_in_dim3A_90 = vector.broadcast %jit3A_89 : i32 to vector<64x1xi32>
      %select_n3A_91 = arith.select %eq3A_86, %broadcast_in_dim3A_90, %add3A_88 : vector<64x1xi1>, vector<64x1xi32>
      %select_n3A_92 = arith.select %gt3A_80, %sub3A_83, %select_n3A_91 : vector<64x1xi1>, vector<64x1xi32>
      %bitcast_convert_type3A_93 = tpu.bitcast %select_n3A_92 : vector<64x1xi32> -> vector<64x1xf32>
      %swap3A_94 = arith.constant 0 : index
      %swap3A_95 = arith.constant 0 : index
      %swap3A_96 = vector.load %arg9[%swap3A_94, %swap3A_95] : memref<64x1xf32, #tpu.memory_space<vmem>>, vector<64x1xf32>
      tpu.vector_store %arg9[%swap3A_94, %swap3A_95], %bitcast_convert_type3A_93 {strides = array<i32>} : memref<64x1xf32, #tpu.memory_space<vmem>>, vector<64x1xf32>,
    } else {
    }
    %get3A_4 = arith.constant 0 : index
    %get3A_5 = arith.constant 0 : index
    %get3A_6 = vector.load %arg4[%get3A_4, %get3A_5] : memref<64x16384xf32, #tpu.memory_space<vmem>>, vector<64x16384xf32>
    %get3A_7 = arith.constant 0 : index
    %get3A_8 = arith.constant 0 : index
    %get3A_9 = vector.load %arg8[%get3A_7, %get3A_8] : memref<64x1xf32, #tpu.memory_space<vmem>>, vector<64x1xf32>
    %get3A_10 = arith.constant 0 : index
    %get3A_11 = arith.constant 0 : index
    %get3A_12 = vector.load %arg9[%get3A_10, %get3A_11] : memref<64x1xf32, #tpu.memory_space<vmem>>, vector<64x1xf32>
    %get3A_13 = arith.constant 0 : index
    %get3A_14 = arith.constant 0 : index
    %get3A_15 = vector.load %arg10[%get3A_13, %get3A_14] : memref<64x16384xi32, #tpu.memory_space<vmem>>, vector<64x16384xi32>
    %mul3A = arith.constant 16384 : i32
    %mul3A_16 = arith.muli %arg0, %mul3A : i32
    %sub3A = vector.broadcast %mul3A_16 : i32 to vector<64x1xi32>
    %sub3A_17 = arith.subi %get3A_1, %sub3A : vector<64x1xi32>
    %lt3A = vector.broadcast %sub3A_17 : vector<64x1xi32> to vector<64x16384xi32>
    %lt3A_18 = arith.cmpi slt, %get3A_15, %lt3A : vector<64x16384xi32>
    %broadcast_in_dim3A = vector.shape_cast %get3A_12 : vector<64x1xf32> to vector<64x1xf32>
    %broadcast_in_dim3A_19 = vector.broadcast %broadcast_in_dim3A : vector<64x1xf32> to vector<64x16384xf32>
    %broadcast_in_dim3A_20 = vector.shape_cast %get3A_9 : vector<64x1xf32> to vector<64x1xf32>
    %broadcast_in_dim3A_21 = vector.broadcast %broadcast_in_dim3A_20 : vector<64x1xf32> to vector<64x16384xf32>
    %select_n3A = arith.select %lt3A_18, %broadcast_in_dim3A_19, %broadcast_in_dim3A_21 : vector<64x16384xi1>, vector<64x16384xf32>
    %lt3A_22 = arith.constant 61 : i32
    %lt3A_23 = arith.cmpi slt, %arg0, %lt3A_22 : i32
    %convert_element_type3A_24 = arith.extui %lt3A_23 : i1 to i32
    %cond3A_25 = arith.constant 0 : i32
    %cond3A_26 = arith.cmpi ne, %convert_element_type3A_24, %cond3A_25 : i32
    scf.if %cond3A_26 {
      %get3A_32 = arith.constant 0 : index
      %get3A_33 = arith.constant 0 : index
      %get3A_34 = vector.load %arg7[%get3A_32, %get3A_33] : memref<64x16384xi32, #tpu.memory_space<vmem>>, vector<64x16384xi32>
      %gt3A = arith.cmpf ogt, %get3A_6, %select_n3A : vector<64x16384xf32>
      %convert_element_type3A_35 = arith.extui %gt3A : vector<64x16384xi1> to vector<64x16384xi32>
      %add3A = arith.addi %get3A_34, %convert_element_type3A_35 : vector<64x16384xi32>
      %swap3A = arith.constant 0 : index
      %swap3A_36 = arith.constant 0 : index
      %swap3A_37 = vector.load %arg7[%swap3A, %swap3A_36] : memref<64x16384xi32, #tpu.memory_space<vmem>>, vector<64x16384xi32>
      tpu.vector_store %arg7[%swap3A, %swap3A_36], %add3A {strides = array<i32>} : memref<64x16384xi32, #tpu.memory_space<vmem>>, vector<64x16384xi32>,
    } else {
    }
    %eq3A_27 = arith.constant 61 : i32
    %eq3A_28 = arith.cmpi eq, %arg0, %eq3A_27 : i32
    %convert_element_type3A_29 = arith.extui %eq3A_28 : i1 to i32
    %cond3A_30 = arith.constant 0 : i32
    %cond3A_31 = arith.cmpi ne, %convert_element_type3A_29, %cond3A_30 : i32
    scf.if %cond3A_31 {
      %lt3A_32 = arith.constant 576 : i32
      %lt3A_33 = vector.broadcast %lt3A_32 : i32 to vector<64x16384xi32>
      %lt3A_34 = arith.cmpi slt, %get3A_15, %lt3A_33 : vector<64x16384xi32>
      %jit3A = arith.constant 0x7F800000 : f32
      %broadcast_in_dim3A_35 = vector.broadcast %jit3A : f32 to vector<64x16384xf32>
      %select_n3A_36 = arith.select %lt3A_34, %select_n3A, %broadcast_in_dim3A_35 : vector<64x16384xi1>, vector<64x16384xf32>
      %get3A_37 = arith.constant 0 : index
      %get3A_38 = arith.constant 0 : index
      %get3A_39 = vector.load %arg7[%get3A_37, %get3A_38] : memref<64x16384xi32, #tpu.memory_space<vmem>>, vector<64x16384xi32>
      %gt3A = arith.cmpf ogt, %get3A_6, %select_n3A_36 : vector<64x16384xf32>
      %convert_element_type3A_40 = arith.extui %gt3A : vector<64x16384xi1> to vector<64x16384xi32>
      %add3A = arith.addi %get3A_39, %convert_element_type3A_40 : vector<64x16384xi32>
      %swap3A = arith.constant 0 : index
      %swap3A_41 = arith.constant 0 : index
      %swap3A_42 = vector.load %arg7[%swap3A, %swap3A_41] : memref<64x16384xi32, #tpu.memory_space<vmem>>, vector<64x16384xi32>
      tpu.vector_store %arg7[%swap3A, %swap3A_41], %add3A {strides = array<i32>} : memref<64x16384xi32, #tpu.memory_space<vmem>>, vector<64x16384xi32>,
      %get3A_43 = arith.constant 0 : index
      %get3A_44 = arith.constant 0 : index
      %get3A_45 = vector.load %arg7[%get3A_43, %get3A_44] : memref<64x16384xi32, #tpu.memory_space<vmem>>, vector<64x16384xi32>
      %reduce_sum3A = arith.constant dense<0> : vector<64xi32>
      %reduce_sum3A_46 = vector.multi_reduction <add>, %get3A_45, %reduce_sum3A [1] : vector<64x16384xi32> to vector<64xi32>
      %broadcast_in_dim3A_47 = vector.shape_cast %reduce_sum3A_46 : vector<64xi32> to vector<64x1xi32>
      %eq3A_48 = arith.constant 0 : i32
      %eq3A_49 = vector.broadcast %eq3A_48 : i32 to vector<64x1xi32>
      %eq3A_50 = arith.cmpi eq, %broadcast_in_dim3A_47, %eq3A_49 : vector<64x1xi32>
      %convert_element_type3A_51 = arith.extui %eq3A_50 : vector<64x1xi1> to vector<64x1xi32>
      %reduce_sum3A_52 = vector.shape_cast %convert_element_type3A_51 : vector<64x1xi32> to vector<1x64x1xi32>
      %reduce_sum3A_53 = arith.constant dense<0> : vector<1xi32>
      %reduce_sum3A_54 = vector.multi_reduction <add>, %reduce_sum3A_52, %reduce_sum3A_53 [1, 2] : vector<1x64x1xi32> to vector<1xi32>
      %reduce_sum3A_55 = vector.shape_cast %reduce_sum3A_54 : vector<1xi32> to vector<1x1x1xi32>
      %reduce_sum3A_56 = vector.extract %reduce_sum3A_55[0, 0, 0] : i32 from vector<1x1x1xi32>
      %broadcast_in_dim3A_57 = vector.broadcast %reduce_sum3A_56 : i32 to vector<1x1xi32>
      %swap3A_58 = arith.constant 0 : index
      %swap3A_59 = arith.constant 0 : index
      %swap3A_60 = vector.load %arg5[%swap3A_58, %swap3A_59] : memref<1x1xi32, #tpu.memory_space<vmem>>, vector<1x1xi32>
      tpu.vector_store %arg5[%swap3A_58, %swap3A_59], %broadcast_in_dim3A_57 {strides = array<i32>} : memref<1x1xi32, #tpu.memory_space<vmem>>, vector<1x1xi32>,
      %lt3A_61 = arith.constant 5 : i32
      %lt3A_62 = vector.broadcast %lt3A_61 : i32 to vector<64x1xi32>
      %lt3A_63 = arith.cmpi slt, %broadcast_in_dim3A_47, %lt3A_62 : vector<64x1xi32>
      %convert_element_type3A_64 = arith.extui %lt3A_63 : vector<64x1xi1> to vector<64x1xi32>
      %reduce_sum3A_65 = vector.shape_cast %convert_element_type3A_64 : vector<64x1xi32> to vector<1x64x1xi32>
      %reduce_sum3A_66 = arith.constant dense<0> : vector<1xi32>
      %reduce_sum3A_67 = vector.multi_reduction <add>, %reduce_sum3A_65, %reduce_sum3A_66 [1, 2] : vector<1x64x1xi32> to vector<1xi32>
      %reduce_sum3A_68 = vector.shape_cast %reduce_sum3A_67 : vector<1xi32> to vector<1x1x1xi32>
      %reduce_sum3A_69 = vector.extract %reduce_sum3A_68[0, 0, 0] : i32 from vector<1x1x1xi32>
      %broadcast_in_dim3A_70 = vector.broadcast %reduce_sum3A_69 : i32 to vector<1x1xi32>
      %swap3A_71 = arith.constant 0 : index
      %swap3A_72 = arith.constant 0 : index
      %swap3A_73 = vector.load %arg6[%swap3A_71, %swap3A_72] : memref<1x1xi32, #tpu.memory_space<vmem>>, vector<1x1xi32>
      tpu.vector_store %arg6[%swap3A_71, %swap3A_72], %broadcast_in_dim3A_70 {strides = array<i32>} : memref<1x1xi32, #tpu.memory_space<vmem>>, vector<1x1xi32>,
    } else {
    }
    return
  }
  func.func @transform_0(%arg0: i32) -> (i32, i32, i32) {
    %c0_i32 = arith.constant 0 : i32
    %c0_i32_0 = arith.constant 0 : i32
    %c0_i32_1 = arith.constant 0 : i32
    %c0_i32_2 = arith.constant 0 : i32
    return %c0_i32, %c0_i32_0, %c0_i32_1 : i32, i32, i32
  }
  func.func @transform_1(%arg0: i32) -> (i32, i32) {
    %c0_i32 = arith.constant 0 : i32
    %c0_i32_0 = arith.constant 0 : i32
    %c0_i32_1 = arith.constant 0 : i32
    return %c0_i32, %c0_i32_0 : i32, i32
  }
  func.func @transform_2(%arg0: i32) -> (i32, i32) {
    %c0_i32 = arith.constant 0 : i32
    %c0_i32_0 = arith.constant 0 : i32
    %c0_i32_1 = arith.constant 0 : i32
    return %c0_i32, %c0_i32_0 : i32, i32
  }
  func.func @transform_3(%arg0: i32) -> (i32, i32) {
    %c0_i32 = arith.constant 0 : i32
    %c0_i32_0 = arith.constant 0 : i32
    return %c0_i32, %arg0 : i32, i32
  }
  func.func @transform_4(%arg0: i32) -> (i32, i32) {
    %c0_i32 = arith.constant 0 : i32
    %c0_i32_0 = arith.constant 0 : i32
    %c0_i32_1 = arith.constant 0 : i32
    return %c0_i32, %c0_i32_0 : i32, i32
  }
  func.func @transform_5(%arg0: i32) -> (i32, i32) {
    %c0_i32 = arith.constant 0 : i32
    %c0_i32_0 = arith.constant 0 : i32
    %c0_i32_1 = arith.constant 0 : i32
    return %c0_i32, %c0_i32_0 : i32, i32
  }
}

</mosaic_0001>

<sc_bundles>
// kernel: kernel.4.cloned.1.call-start
scs
__scs_entry_jumppad:
0x0: {  	(pc) =	sbr.rel $0x88, $3  }
0x1: {  	(tag) =	ssettag $0x0;
	lr =	simm.s32 $0x1  }
0x2: {  	[smem:$0x3F9F] =	sst lr;
	_ =	strace $0xD0000000  }
0x3: {  	_ = 	snop  }
0x4: {  	_ = 	snop  }
0x5: {  	_ = 	snop  }
0x6: {  	_ = 	snop  }
0x7: {  	_ = 	snop  }
__scs_overlays_trampoline_lowered:
0x8: {  	[smem:$0x3FAE] =	sst s0  }
0x9: {  	[smem:$0x3FAF] =	sst s1  }
0xa: {  	[smem:$0x3FB0] =	sst s2  }
0xb: {  	[smem:$0x3FB1] =	sst s3  }
0xc: {  	[smem:$0x3FB2] =	sst s4  }
0xd: {  	[smem:$0x3FB3] =	sst s5  }
0xe: {  	[smem:$0x3FB4] =	sst s6  }
0xf: {  	[smem:$0x3FB5] =	sst s7  }
0x10: {  	[smem:$0x3FB6] =	sst s8  }
0x11: {  	[smem:$0x3FB7] =	sst s9;
	s0 =	simm.s32 @!p0 $0x0  }
0x12: {  	s1 =	sld [smem:$0x3F9D];
	s0 =	simm.s32 @p0 $0x1  }
0x13: {  	[smem:$0x3FB8] =	sst s0;
	s0 =	simm.s32 @!p1 $0x0  }
0x14: {  	s2 =	sld [smem:$0x3F9C];
	s0 =	simm.s32 @p1 $0x1  }
0x15: {  	[smem:$0x3FB9] =	sst s0;
	s0 =	simm.s32 @!p2 $0x0  }
0x16: {  	s3 =	sld [smem:$0x3FDB];
	s0 =	simm.s32 @p2 $0x1  }
0x17: {  	s4 =	simm.s32 $0x1BF5;
	[smem:$0x3FBB] =	sst s0  }
0x18: {  	s0 =	sld [smem:$0x3F9E];
	_ =	swait.ge [sflag:s4], $0x0  }
0x19: {  	s7 =	sld [smem:$0x3F9F]  }
0x1a: {  	s8 =	sadd.s32 $0xFFFFE003, lr  }
0x1b: {  	s9 =	sadd.s32 $0xFFFFFEF7, lr;
	s5 =	simm.s32 $0xFFFFFFFF;
	p2 =	slt.u32 s8, $0xFFFFF086  }
0x1c: {  	p1 =	slt.u32 s9, $0xF7A;
	s5 =	simm.s32 @!p2 $0x0  }
0x1d: {  	s5 =	simm.s32 @p1 $0x1;
	p0 =	seq.s32 s7, s2  }
0x1e: {  	s7 =	smul.u32 @!p0 $0xF7A, s2;
	p2 =	seq.s32 @!p0 s5, $0x0  }
0x1f: {  	s9 =	smul.u32 $0xF7A, s1;
	s8 =	simm.s32 @!p0 $0x1BF5;
	p2 =	por !p2, p0  }
0x20: {  	[sflag:s8] =	ssyncset.s32 @!p0 $0xFFFFF086;
	s6 =	sadd.s32 @!p0 s3, s7;
	s7 =	simm.s32 @!p0 $0x108  }
0x21: {  	s3 =	sadd.s32 s3, s9;
	s6 =	sadd.s32 @!p0 $0x88, s6;
	s7 =	simm.s32 @p2 $0x1082  }
0x22: {  	[simem:s7], [sflag:s8] =	dma.local @!p0 [hbm:s6], $0xF7A  }
0x23: {  	s9 =	sor.u32 $0xD0000000, s2;
	s6 =	simm.s32 $0x108;
	_ =	swait.ge @!p0 [sflag:s8], $0x0  }
0x24: {  	s3 =	sadd.s32 $0x88, s3;
	s6 =	simm.s32 @!p1 $0x1082;
	[sflag:s4] =	ssyncset.s32 $0xFFFFF086  }
0x25: {  	[simem:s6], [sflag:s4] =	dma.local [hbm:s3], $0xF7A  }
0x26: {  	[smem:$0x3F9F] =	sst s1;
	(tag) =	ssettag s2;
	_ =	strace s9  }
0x27: {  	s1 =	sld [smem:$0x3FAF]  }
0x28: {  	s2 =	sld [smem:$0x3FB0]  }
0x29: {  	s4 =	sld [smem:$0x3FB2]  }
0x2a: {  	p0 =	seq.s32 s5, $0x0;
	s5 =	sld [smem:$0x3FB3]  }
0x2b: {  	s6 =	sld [smem:$0x3FB4]  }
0x2c: {  	s7 =	sld [smem:$0x3FB5]  }
0x2d: {  	s3 =	simm.s32 $0x108;
	s8 =	sld [smem:$0x3FB6]  }
0x2e: {  	s3 =	simm.s32 @!p0 $0x1082;
	s9 =	sld [smem:$0x3FB7]  }
0x2f: {  	lr =	sadd.s32 s0, s3;
	s0 =	sld [smem:$0x3FAE]  }
0x30: {  	s3 =	sld [smem:$0x3FB1]  }
0x31: {  	[smem:$0x3FBA] =	sst s10  }
0x32: {  	s10 =	sld [smem:$0x3FB8];
	_ =	sdelay $0x3  }
0x33: {  	p0 =	seq.s32 s10, $0x1;
	s10 =	sld [smem:$0x3FBA];
	_ =	sdelay $0x3  }
0x34: {  	[smem:$0x3FBA] =	sst s10  }
0x35: {  	s10 =	sld [smem:$0x3FB9];
	_ =	sdelay $0x3  }
0x36: {  	p1 =	seq.s32 s10, $0x1;
	s10 =	sld [smem:$0x3FBA];
	_ =	sdelay $0x3  }
0x37: {  	[smem:$0x3FBA] =	sst s10  }
0x38: {  	s10 =	sld [smem:$0x3FBB]  }
0x39: {  	_ = 	snop;
	(pc) =	sbr.ind lr, $3  }
0x3a: {  	_ = 	snop  }
0x3b: {  	_ = 	snop  }
0x3c: {  	p2 =	seq.s32 s10, $0x1;
	s10 =	sld [smem:$0x3FBA]  }
0x3d: {  	_ =	shalt  }
0x3e: {  	_ =	shalt  }
0x3f: {  	_ =	shalt  }
0x40: {  	_ =	shalt  }
0x41: {  	_ =	shalt  }
0x42: {  	_ =	shalt  }
0x43: {  	_ =	shalt  }
0x44: {  	_ =	shalt  }
0x45: {  	_ =	shalt  }
0x46: {  	_ =	shalt  }
0x47: {  	_ =	shalt  }
0x48: {  	_ =	shalt  }
0x49: {  	_ =	shalt  }
0x4a: {  	_ =	shalt  }
0x4b: {  	_ =	shalt  }
0x4c: {  	_ =	shalt  }
0x4d: {  	_ =	shalt  }
0x4e: {  	_ =	shalt  }
0x4f: {  	_ =	shalt  }
0x50: {  	_ =	shalt  }
0x51: {  	_ =	shalt  }
0x52: {  	_ =	shalt  }
0x53: {  	_ =	shalt  }
0x54: {  	_ =	shalt  }
0x55: {  	_ =	shalt  }
0x56: {  	_ =	shalt  }
0x57: {  	_ =	shalt  }
0x58: {  	_ =	shalt  }
0x59: {  	_ =	shalt  }
0x5a: {  	_ =	shalt  }
0x5b: {  	_ =	shalt  }
0x5c: {  	_ =	shalt  }
0x5d: {  	_ =	shalt  }
0x5e: {  	_ =	shalt  }
0x5f: {  	_ =	shalt  }
0x60: {  	_ =	shalt  }
0x61: {  	_ =	shalt  }
0x62: {  	_ =	shalt  }
0x63: {  	_ =	shalt  }
0x64: {  	_ =	shalt  }
0x65: {  	_ =	shalt  }
0x66: {  	_ =	shalt  }
0x67: {  	_ =	shalt  }
0x68: {  	_ =	shalt  }
0x69: {  	_ =	shalt  }
0x6a: {  	_ =	shalt  }
0x6b: {  	_ =	shalt  }
0x6c: {  	_ =	shalt  }
0x6d: {  	_ =	shalt  }
0x6e: {  	_ =	shalt  }
0x6f: {  	_ =	shalt  }
0x70: {  	_ =	shalt  }
0x71: {  	_ =	shalt  }
0x72: {  	_ =	shalt  }
0x73: {  	_ =	shalt  }
0x74: {  	_ =	shalt  }
0x75: {  	_ =	shalt  }
0x76: {  	_ =	shalt  }
0x77: {  	_ =	shalt  }
0x78: {  	_ =	shalt  }
0x79: {  	_ =	shalt  }
0x7a: {  	_ =	shalt  }
0x7b: {  	_ =	shalt  }
0x7c: {  	_ =	shalt  }
0x7d: {  	_ =	shalt  }
0x7e: {  	_ =	shalt  }
0x7f: {  	_ =	shalt  }
0x80: {  	_ =	shalt  }
0x81: {  	_ =	shalt  }
0x82: {  	_ =	shalt  }
0x83: {  	_ =	shalt  }
0x84: {  	_ =	shalt  }
0x85: {  	_ =	shalt  }
0x86: {  	_ =	shalt  }
0x87: {  	_ =	shalt  }
.Lfunc_end0:
.L_simem_size_0:
called_computation_lowered:
.L_overlay_start_0:
0x88: {  	s2 =	sld [smem:$0x3FD9]  }
0x89: {  	s3 =	sld [smem:$0x3FFE];
	_ =	sdelay $0x1  }
0x8a: {  	s1 =	srdreg.scid  }
0x8b: {  	s0 =	sand.u32 $0x1, s1  }
0x8c: {  	s17 =	sshll.u32 s0, $0xA;
	s2 =	sadd.s32 s3, s2  }
0x8d: {  	s2 =	sadd.s32 s2, s17  }
0x8e: {  	[smem:$0x3FC6] =	sst s2  }
0x8f: {  	_ = 	snop  }
0x90: {  	s2 =	sld [smem:$0x3FC9]  }
0x91: {  	s18 =	sld [smem:$0x3FC8];
	(tm) =	ssettm $0x1  }
0x92: {  	s4 =	sld [smem:$0x3FFB];
	_ =	sdelay $0x3  }
0x93: {  	_ =	strace s4  }
0x94: {  	s4 =	sld [smem:$0x3FFC];
	_ =	sdelay $0x3  }
0x95: {  	_ =	strace s4  }
0x96: {  	s4 =	sld [smem:$0x3FFD];
	_ =	sdelay $0x3  }
0x97: {  	_ =	strace s4  }
0x98: {  	_ =	strace $0x8FFFFFFF  }
0x99: {  	s19 =	sld [smem:$0x3FDB];
	_ =	sdelay $0x1  }
0x9a: {  	s5 =	simm.s32 $_scs_section_size  }
0x9b: {  	s6 =	simm.s32 $_size__tile_overlayer_lowered;
	s7 =	simm.s32 $_tile_overlayer_lowered  }
0x9c: {  	s22 =	simm.s32 $0x1BFF;
	s21 =	sshll.u32 s7, $0x1;
	s4 =	sadd.s32 s5, s19  }
0x9d: {  	s8 =	simm.s32 $0x0;
	s20 =	sshll.u32 s6, $0x1;
	s6 =	sadd.s32 s21, s4  }
0x9e: {  	[timem:s8], [sflag:s22] =	dma.local [hbm:s6], s20  }
0x9f: {  	_ =	swait.ge [sflag:s22], s20  }
0xa0: {  	s5 =	ssub.s32 $0x0, s20;
	[sflag:s22] =	ssyncset.done $0x0  }
0xa1: {  	[sflag:s22] =	ssyncadd.s32 s5;
	_ =	sdelay $0x1  }
0xa2: {  	s23 =	simm.s32 $0x1B8B  }
0xa3: {  	_ =	swait.ge [sflag:s23], $0x1  }
0xa4: {  	[sflag:s23] =	ssyncset.done $0x0  }
0xa5: {  	s25 =	simm.s32 $0x1B8E;
	s24 =	sld [smem:$0x3FFE];
	[sflag:s23] =	ssyncadd.s32 $0xFFFFFFFF  }
0xa6: {  	s26 =	simm.s32 $execute0_lowered;
	[smem:$0x3FD2] =	sst s25  }
0xa7: {  	s6 =	sshll.u32 s26, $0x1;
	_ =	strace $0x80000046;
	[dreg:$0x1] =	wrdreg $0xFFFFFFFF  }
0xa8: {  	s28 =	simm.s32 $_size_execute0_lowered;
	s4 =	sadd.s32 s4, s6;
	[dreg:$0x0] =	wrdreg $0x0  }
0xa9: {  	s6 =	sshll.u32 s28, $0x1;
	[dreg:$0x2] =	wrdreg s4  }
0xaa: {  	[dreg:$0x3] =	wrdreg s6  }
0xab: {  	[dreg:$0x4] =	wrdreg $0xC0  }
0xac: {  	_ =	task [dreg:s8], $0x5FFFF  }
0xad: {  	[dreg:$0x1] =	wrdreg $0xFFFFFFFF  }
0xae: {  	[dreg:$0x0] =	wrdreg $0x60  }
0xaf: {  	[dreg:$0x2] =	wrdreg s2  }
0xb0: {  	[dreg:$0x3] =	wrdreg s18  }
0xb1: {  	[dreg:$0x4] =	wrdreg s24  }
0xb2: {  	[dreg:$0x5] =	wrdreg $0x9  }
0xb3: {  	_ =	task.clear_ibuf [dreg:s8], $0x6FFFF;
	_ =	strace $0x90000046  }
0xb4: {  	s29 =	simm.s32 $0x9;
	_ =	strace $0x80000048  }
0xb5: {  	_ =	swait.ge [sflag:s29], $0x1  }
0xb6: {  	[sflag:s29] =	ssyncadd.s32 $0xFFFFFFFF  }
0xb7: {  	_ =	strace $0x90000048  }
0xb8: {  	_ =	sfence  }
0xb9: {  	s30 =	sld [smem:$0x0];
	_ =	sdelay $0x2  }
0xba: {  	s31 =	sshll.u32 s1, $0xD;
	s1 =	sshrl.u32 s1, $0x2  }
0xbb: {  	s3 =	sand.u32 $0x4000, s31;
	s1 =	sadd.s32 s1, s30  }
0xbc: {  	s0 =	sor.u32 s3, s0;
	s1 =	sshll.u32 s1, $0x11  }
0xbd: {  	s0 =	sor.u32 s1, s0  }
0xbe: {  	s0 =	sadd.s32 $0x8F2B, s0  }
0xbf: {  	[sflag:s0] =	ssyncadd.remote.s32 $0x1  }
0xc0: {  	_ =	sfence.sel $0xFFFF  }
0xc1: {  	[dreg:$0x0] =	wrdreg $0xFFFFFFFF;
	(pc) =	sbr.abs _section_cstart, $3  }
0xc2: {  	[dreg:$0x1] =	wrdreg $0xFFFFFFFF  }
0xc3: {  	_ =	task.clear_ibuf [dreg:s8], $0x2FFFF;
	_ =	strace $0x9FFFFFFF  }
0xc4: {  	(tm) =	ssettm $0x7FFFFFFF  }
0xc5: {  	_ =	shalt  }
tec
execute0_lowered:
.L_overlay_start_1:
0x0: {  	(tag) =	ssettag $0x1  }
0x1: {  	s1 =	stileid.u32  }
0x2: {  	p0 =	sgt.u32 s1, $0x1  }
.Ltmp0:
0x3: {  	s2 =	rddreg [dreg:$0x0];
	(pc) =	sbr.rel @p0 .LBB2_4-.Ltmp0, $4  }
0x4: {  	s5 =	rddreg [dreg:$0x1]  }
0x5: {  	s6 =	rddreg [dreg:$0x2];
	s3 =	simm.s32 $0x0  }
0x6: {  	[smem:$0x7FF] =	sst s3  }
0x7: {  	s0 =	rddreg [dreg:$0x3];
	_ =	strace $0x80000047  }
0x8: {  	s12 =	simm.s32 $0x880  }
0x9: {  	s13 =	simm.s32 $0xC80;
	[dreg:$0xa] =	wrdreg s12  }
0xa: {  	s14 =	simm.s32 $0x1080;
	[dreg:$0xb] =	wrdreg s13  }
0xb: {  	s15 =	simm.s32 $0x1480;
	[dreg:$0xc] =	wrdreg s14  }
0xc: {  	s16 =	simm.s32 $0x1880;
	[dreg:$0xd] =	wrdreg s15  }
0xd: {  	s17 =	simm.s32 $0x1C80;
	[dreg:$0xe] =	wrdreg s16  }
0xe: {  	s18 =	simm.s32 $0x2080;
	[dreg:$0xf] =	wrdreg s17  }
0xf: {  	s19 =	simm.s32 $0x2480;
	[dreg:$0x10] =	wrdreg s18  }
0x10: {  	s20 =	simm.s32 $0x2880;
	[dreg:$0x11] =	wrdreg s19  }
0x11: {  	s21 =	simm.s32 $0x2C80;
	[dreg:$0x12] =	wrdreg s20  }
0x12: {  	s22 =	simm.s32 $0x3080;
	[dreg:$0x13] =	wrdreg s21  }
0x13: {  	s4 =	srdreg.scid;
	s23 =	simm.s32 $0x3480;
	[dreg:$0x14] =	wrdreg s22  }
0x14: {  	s30 =	sshll.u32 s1, $0x1;
	s24 =	simm.s32 $0x3880;
	[dreg:$0x15] =	wrdreg s23  }
0x15: {  	s25 =	simm.s32 $0x3C80;
	s8 =	sand.u32 $0x1, s4;
	[dreg:$0x16] =	wrdreg s24  }
0x16: {  	s26 =	simm.s32 $0x400;
	[dreg:$0x17] =	wrdreg s25;
	s7 =	sor.u32 s8, s30  }
0x17: {  	s29 =	simm.s32 $0x7A1400;
	[dreg:$0x18] =	wrdreg s26;
	s4 =	smul.u32 $0xF42800, s7  }
0x18: {  	s9 =	sshll.u32 s7, $0xB;
	s10 =	sshll.u32 s7, $0x8;
	s7 =	sshll.u32 s7, $0x1  }
0x19: {  	[dreg:$0x19] =	wrdreg s29;
	s9 =	sadd.s32 s9, s6;
	s5 =	sadd.s32 s5, s7  }
0x1a: {  	s31 =	sadd.s32 s10, s6;
	s9 =	sadd.s32 $0x1000, s9;
	[dreg:$0x8] =	wrdreg s5  }
0x1b: {  	s6 =	sadd.s32 $0x3000, s31;
	[dreg:$0x5] =	wrdreg s9  }
0x1c: {  	s4 =	sshrl.u32 s4, $0x3;
	[dreg:$0x7] =	wrdreg s6  }
0x1d: {  	s11 =	sadd.s32 $0xF4280, s4;
	s4 =	sadd.s32 s2, s4;
	s28 =	rddreg [dreg:$0x8]  }
0x1e: {  	[dreg:$0x4] =	wrdreg s11;
	s10 =	sadd.s32 $0xF4200, s4  }
0x1f: {  	[tilespmem:s3], [sflag:$0x2] =	stream.linear.gather [hbm4b:s28+s3], $0x10, $0x38;
	[tilespmem:$0x4880] =	vst v63  }
0x20: {  	s11 =	simm.s32 $0x480;
	[dreg:$0x6] =	wrdreg s10  }
0x21: {  	s5 =	simm.s32 $0x2;
	[dreg:$0x9] =	wrdreg s11  }
0x22: {  	_ =	swait.ge [sflag:s5], $0x10  }
0x23: {  	[sflag:s5] =	ssyncset.done $0x0  }
0x24: {  	[sflag:s5] =	ssyncadd.s32 $0xFFFFFFF0  }
0x25: {  	v0 =	vld [tilespmem:$0x0];
	_ =	sdelay $0x4  }
0x26: {  	v0 =	vand.u32 $0xFFFFFF80, v0  }
0x27: {  	vm0 =	vlt.s32 v0, $0xF4180  }
0x28: {  	v0 =	vnsel vm0, $0xF4180, v0  }
0x29: {  	v1 =	vadd.s32 s4, v0  }
0x2a: {  	s30 =	rddreg [dreg:$0x4];
	(v2sf) =	vpush v1, $0x1  }
0x2b: {  	v0 =	vadd.s32 s30, v0;
	(v2sf) =	vpush v1, $0x0  }
0x2c: {  	(v2sf) =	vpush v0, $0x8;
	_ =	sdelay $0x1  }
0x2d: {  	(v2sf) =	vpush v1, $0x2;
	_ =	sdelay $0x1  }
0x2e: {  	(v2sf) =	vpush v1, $0x3;
	_ =	sdelay $0x1  }
0x2f: {  	(v2sf) =	vpush v1, $0x4;
	_ =	sdelay $0x1  }
0x30: {  	(v2sf) =	vpush v1, $0x5;
	_ =	sdelay $0x1  }
0x31: {  	s9 =	rddreg [dreg:$0x15];
	(v2sf) =	vpush v1, $0x6  }
0x32: {  	s10 =	rddreg [dreg:$0x14]  }
0x33: {  	s11 =	rddreg [dreg:$0x13];
	(v2sf) =	vpush v1, $0x7  }
0x34: {  	s12 =	rddreg [dreg:$0x12];
	s13 =	spop (v2sf)  }
0x35: {  	s14 =	rddreg [dreg:$0x11];
	(v2sf) =	vpush v0, $0x9;
	s15 =	spop (v2sf)  }
0x36: {  	s6 =	simm.s32 $0x80;
	s16 =	rddreg [dreg:$0x9];
	s17 =	spop (v2sf)  }
0x37: {  	(v2sf) =	vpush v0, $0xA;
	[tilespmem:s6], [sflag:$0x1] =	stream.linear.gather [hbm4b:s15+s3], $0x400, $0x38;
	[tilespmem:$0x4880] =	vst v63  }
0x38: {  	s31 =	rddreg [dreg:$0xa];
	s18 =	spop (v2sf)  }
0x39: {  	(v2sf) =	vpush v0, $0xB;
	[tilespmem:s16], [sflag:$0x1] =	stream.linear.gather [hbm4b:s13+s3], $0x400, $0x38;
	[tilespmem:$0x4880] =	vst v63  }
0x3a: {  	s20 =	rddreg [dreg:$0xc];
	s19 =	spop (v2sf)  }
0x3b: {  	(v2sf) =	vpush v0, $0xC;
	[tilespmem:s31], [sflag:$0x1] =	stream.linear.gather [hbm4b:s18+s3], $0x400, $0x38;
	[tilespmem:$0x4880] =	vst v63  }
0x3c: {  	s16 =	rddreg [dreg:$0xb];
	s21 =	spop (v2sf)  }
0x3d: {  	(v2sf) =	vpush v0, $0xD;
	[tilespmem:s16], [sflag:$0x1] =	stream.linear.gather [hbm4b:s19+s3], $0x400, $0x38;
	[tilespmem:$0x4880] =	vst v63  }
0x3e: {  	s22 =	rddreg [dreg:$0xd];
	s23 =	spop (v2sf)  }
0x3f: {  	(v2sf) =	vpush v0, $0xE;
	[tilespmem:s20], [sflag:$0x1] =	stream.linear.gather [hbm4b:s21+s3], $0x400, $0x38;
	[tilespmem:$0x4880] =	vst v63  }
0x40: {  	s24 =	rddreg [dreg:$0xe];
	s25 =	spop (v2sf)  }
0x41: {  	(v2sf) =	vpush v0, $0xF;
	[tilespmem:s22], [sflag:$0x1] =	stream.linear.gather [hbm4b:s23+s3], $0x400, $0x38;
	[tilespmem:$0x4880] =	vst v63  }
0x42: {  	s26 =	rddreg [dreg:$0xf];
	s28 =	spop (v2sf)  }
0x43: {  	[tilespmem:s24], [sflag:$0x1] =	stream.linear.gather [hbm4b:s25+s3], $0x400, $0x38;
	[tilespmem:$0x4880] =	vst v63  }
0x44: {  	s30 =	rddreg [dreg:$0x10];
	s29 =	sand.u32 $0x1FFFFF80, s17;
	s31 =	spop (v2sf)  }
0x45: {  	[tilespmem:s26], [sflag:$0x1] =	stream.linear.gather [hbm4b:s28+s3], $0x400, $0x38;
	[tilespmem:$0x4880] =	vst v63  }
0x46: {  	s19 =	sadd.s32 s2, s29;
	s20 =	sand.u32 $0x1FFFFF80, s31;
	s21 =	spop (v2sf)  }
0x47: {  	[tilespmem:s30], [sflag:$0x1] =	stream.linear.gather [hbm4b:s19+s3], $0x400, $0x38;
	[tilespmem:$0x4880] =	vst v63  }
0x48: {  	s22 =	sadd.s32 s2, s20;
	s23 =	sand.u32 $0x1FFFFF80, s21;
	s24 =	spop (v2sf)  }
0x49: {  	[tilespmem:s14], [sflag:$0x1] =	stream.linear.gather [hbm4b:s22+s3], $0x400, $0x38;
	[tilespmem:$0x4880] =	vst v63  }
0x4a: {  	s25 =	sadd.s32 s2, s23;
	s26 =	sand.u32 $0x1FFFFF80, s24;
	s28 =	spop (v2sf)  }
0x4b: {  	[tilespmem:s12], [sflag:$0x1] =	stream.linear.gather [hbm4b:s25+s3], $0x400, $0x38;
	[tilespmem:$0x4880] =	vst v63  }
0x4c: {  	s29 =	sadd.s32 s2, s26;
	s30 =	sand.u32 $0x1FFFFF80, s28;
	s31 =	spop (v2sf)  }
0x4d: {  	[tilespmem:s11], [sflag:$0x1] =	stream.linear.gather [hbm4b:s29+s3], $0x400, $0x38;
	[tilespmem:$0x4880] =	vst v63  }
0x4e: {  	s15 =	sadd.s32 s2, s30;
	s16 =	sand.u32 $0x1FFFFF80, s31;
	s17 =	spop (v2sf)  }
0x4f: {  	[tilespmem:s10], [sflag:$0x1] =	stream.linear.gather [hbm4b:s15+s3], $0x400, $0x38;
	[tilespmem:$0x4880] =	vst v63  }
0x50: {  	s18 =	sadd.s32 s2, s16;
	s19 =	sand.u32 $0x1FFFFF80, s17;
	s20 =	spop (v2sf)  }
0x51: {  	[tilespmem:s9], [sflag:$0x1] =	stream.linear.gather [hbm4b:s18+s3], $0x400, $0x38;
	[tilespmem:$0x4880] =	vst v63  }
0x52: {  	s7 =	rddreg [dreg:$0x16];
	s21 =	sadd.s32 s2, s19;
	s22 =	sand.u32 $0x1FFFFF80, s20  }
0x53: {  	[tilespmem:s7], [sflag:$0x1] =	stream.linear.gather [hbm4b:s21+s3], $0x400, $0x38;
	[tilespmem:$0x4880] =	vst v63  }
0x54: {  	s23 =	rddreg [dreg:$0x17];
	s24 =	sadd.s32 s2, s22;
	s7 =	simm.s32 $0x1  }
0x55: {  	[tilespmem:s23], [sflag:$0x1] =	stream.linear.gather [hbm4b:s24+s3], $0x400, $0x38;
	[tilespmem:$0x4880] =	vst v63  }
0x56: {  	_ =	swait.ge [sflag:s7], $0x400  }
0x57: {  	[sflag:s7] =	ssyncset.done $0x0  }
0x58: {  	[sflag:s7] =	ssyncadd.s32 $0xFFFFFC00  }
0x59: {  	_ =	swait.ge [sflag:s7], $0x400  }
0x5a: {  	[sflag:s7] =	ssyncset.done $0x0  }
0x5b: {  	[sflag:s7] =	ssyncadd.s32 $0xFFFFFC00  }
0x5c: {  	_ =	swait.ge [sflag:s7], $0x400  }
0x5d: {  	[sflag:s7] =	ssyncset.done $0x0  }
0x5e: {  	[sflag:s7] =	ssyncadd.s32 $0xFFFFFC00  }
0x5f: {  	_ =	swait.ge [sflag:s7], $0x400  }
0x60: {  	[sflag:s7] =	ssyncset.done $0x0  }
0x61: {  	[sflag:s7] =	ssyncadd.s32 $0xFFFFFC00  }
0x62: {  	_ =	swait.ge [sflag:s7], $0x400  }
0x63: {  	[sflag:s7] =	ssyncset.done $0x0  }
0x64: {  	[sflag:s7] =	ssyncadd.s32 $0xFFFFFC00  }
0x65: {  	_ =	swait.ge [sflag:s7], $0x400  }
0x66: {  	[sflag:s7] =	ssyncset.done $0x0  }
0x67: {  	[sflag:s7] =	ssyncadd.s32 $0xFFFFFC00  }
0x68: {  	_ =	swait.ge [sflag:s7], $0x400  }
0x69: {  	[sflag:s7] =	ssyncset.done $0x0  }
0x6a: {  	[sflag:s7] =	ssyncadd.s32 $0xFFFFFC00  }
0x6b: {  	_ =	swait.ge [sflag:s7], $0x400  }
0x6c: {  	[sflag:s7] =	ssyncset.done $0x0  }
0x6d: {  	[sflag:s7] =	ssyncadd.s32 $0xFFFFFC00  }
0x6e: {  	_ =	swait.ge [sflag:s7], $0x400  }
0x6f: {  	[sflag:s7] =	ssyncset.done $0x0  }
0x70: {  	[sflag:s7] =	ssyncadd.s32 $0xFFFFFC00  }
0x71: {  	_ =	swait.ge [sflag:s7], $0x400  }
0x72: {  	[sflag:s7] =	ssyncset.done $0x0  }
0x73: {  	[sflag:s7] =	ssyncadd.s32 $0xFFFFFC00  }
0x74: {  	_ =	swait.ge [sflag:s7], $0x400  }
0x75: {  	[sflag:s7] =	ssyncset.done $0x0  }
0x76: {  	[sflag:s7] =	ssyncadd.s32 $0xFFFFFC00  }
0x77: {  	_ =	swait.ge [sflag:s7], $0x400  }
0x78: {  	[sflag:s7] =	ssyncset.done $0x0  }
0x79: {  	[sflag:s7] =	ssyncadd.s32 $0xFFFFFC00  }
0x7a: {  	_ =	swait.ge [sflag:s7], $0x400  }
0x7b: {  	[sflag:s7] =	ssyncset.done $0x0  }
0x7c: {  	[sflag:s7] =	ssyncadd.s32 $0xFFFFFC00  }
0x7d: {  	_ =	swait.ge [sflag:s7], $0x400  }
0x7e: {  	[sflag:s7] =	ssyncset.done $0x0  }
0x7f: {  	[sflag:s7] =	ssyncadd.s32 $0xFFFFFC00  }
0x80: {  	_ =	swait.ge [sflag:s7], $0x400  }
0x81: {  	[sflag:s7] =	ssyncset.done $0x0  }
0x82: {  	[sflag:s7] =	ssyncadd.s32 $0xFFFFFC00  }
0x83: {  	_ =	swait.ge [sflag:s7], $0x400  }
0x84: {  	s8 =	ssub.s32 $0x2, s8;
	[sflag:s7] =	ssyncset.done $0x0  }
0x85: {  	s30 =	sshrl.u32 s8, $0x1;
	s25 =	rddreg [dreg:$0x5];
	[sflag:s7] =	ssyncadd.s32 $0xFFFFFC00  }
0x86: {  	[hbm4b:s25+s3] =	stream.linear.scatter [tilespmem:s6], [sflag:$0x2], $0x4000, $0x38;
	[tilespmem:$0x4880] =	vst v63  }
0x87: {  	s12 =	ssub.s32 s8, s30;
	_ =	swait.ge [sflag:s5], $0x4000  }
0x88: {  	s8 =	simm.s32 $0x4080;
	s31 =	smax.u32 s12, $0x1;
	s26 =	rddreg [dreg:$0x6]  }
0x89: {  	p0 =	sne.s32 s31, $0x1;
	s28 =	rddreg [dreg:$0x19];
	[sflag:s5] =	ssyncset.done $0x0  }
.Ltmp1:
0x8a: {  	s29 =	rddreg [dreg:$0x18];
	[sflag:s5] =	ssyncadd.s32 $0xFFFFC000;
	(pc) =	sbr.rel @!p0 .LBB2_3-.Ltmp1, $4  }
0x8b: {  	[tilespmem:s8], [sflag:$0x2] =	stream.strided.gather [hbm4b:s26+s29], $0x800, s28, s29, $0x38;
	[tilespmem:$0x4880] =	vst v63  }
0x8c: {  	_ =	swait.ge [sflag:s5], $0x800  }
0x8d: {  	[sflag:s5] =	ssyncset.done $0x0  }
0x8e: {  	s9 =	sadd.s32 $0xFFFFFFFF, s31;
	s10 =	rddreg [dreg:$0x7];
	[sflag:s5] =	ssyncadd.s32 $0xFFFFF800  }
.LBB2_2:
0x8f: {  	[hbm4b:s10+s3] =	stream.linear.scatter [tilespmem:s8], [sflag:$0x2], $0x800, $0x38;
	[tilespmem:$0x4880] =	vst v63  }
0x90: {  	_ =	swait.ge [sflag:s5], $0x800  }
0x91: {  	[sflag:s5] =	ssyncset.done $0x0  }
0x92: {  	s26 =	rddreg [dreg:$0x8];
	[sflag:s5] =	ssyncadd.s32 $0xFFFFF800  }
0x93: {  	[tilespmem:s3], [sflag:$0x2] =	stream.linear.gather [hbm4b:s26+s3], $0x10, $0x38;
	[tilespmem:$0x4880] =	vst v63  }
0x94: {  	_ =	swait.ge [sflag:s5], $0x10  }
0x95: {  	[sflag:s5] =	ssyncset.done $0x0  }
0x96: {  	[sflag:s5] =	ssyncadd.s32 $0xFFFFFFF0  }
0x97: {  	v0 =	vld [tilespmem:$0x0];
	_ =	sdelay $0x4  }
0x98: {  	v0 =	vand.u32 $0xFFFFFF80, v0  }
0x99: {  	vm0 =	vlt.s32 v0, $0xF4180  }
0x9a: {  	v0 =	vnsel vm0, $0xF4180, v0  }
0x9b: {  	v1 =	vadd.s32 s4, v0  }
0x9c: {  	s28 =	rddreg [dreg:$0x4];
	(v2sf) =	vpush v1, $0x1  }
0x9d: {  	v0 =	vadd.s32 s28, v0;
	(v2sf) =	vpush v1, $0x0  }
0x9e: {  	(v2sf) =	vpush v0, $0x8;
	_ =	sdelay $0x1  }
0x9f: {  	(v2sf) =	vpush v1, $0x2;
	_ =	sdelay $0x1  }
0xa0: {  	(v2sf) =	vpush v1, $0x3;
	_ =	sdelay $0x1  }
0xa1: {  	(v2sf) =	vpush v1, $0x4;
	_ =	sdelay $0x1  }
0xa2: {  	(v2sf) =	vpush v1, $0x5;
	_ =	sdelay $0x1  }
0xa3: {  	(v2sf) =	vpush v1, $0x6  }
0xa4: {  	s11 =	rddreg [dreg:$0x15]  }
0xa5: {  	s12 =	rddreg [dreg:$0x14];
	(v2sf) =	vpush v1, $0x7  }
0xa6: {  	s13 =	rddreg [dreg:$0x13];
	s15 =	spop (v2sf)  }
0xa7: {  	s14 =	rddreg [dreg:$0x12];
	s17 =	spop (v2sf);
	(v2sf) =	vpush v0, $0x9  }
0xa8: {  	s16 =	rddreg [dreg:$0x11];
	s19 =	spop (v2sf)  }
0xa9: {  	[tilespmem:s6], [sflag:$0x1] =	stream.linear.gather [hbm4b:s17+s3], $0x400, $0x38;
	(v2sf) =	vpush v0, $0xA;
	[tilespmem:$0x4880] =	vst v63  }
0xaa: {  	s18 =	rddreg [dreg:$0x9];
	s20 =	spop (v2sf)  }
0xab: {  	(v2sf) =	vpush v0, $0xB;
	[tilespmem:s18], [sflag:$0x1] =	stream.linear.gather [hbm4b:s15+s3], $0x400, $0x38;
	[tilespmem:$0x4880] =	vst v63  }
0xac: {  	s29 =	rddreg [dreg:$0xa];
	s31 =	spop (v2sf)  }
0xad: {  	(v2sf) =	vpush v0, $0xC;
	[tilespmem:s29], [sflag:$0x1] =	stream.linear.gather [hbm4b:s20+s3], $0x400, $0x38;
	[tilespmem:$0x4880] =	vst v63  }
0xae: {  	s30 =	rddreg [dreg:$0xb];
	s22 =	spop (v2sf)  }
0xaf: {  	(v2sf) =	vpush v0, $0xD;
	[tilespmem:s30], [sflag:$0x1] =	stream.linear.gather [hbm4b:s31+s3], $0x400, $0x38;
	[tilespmem:$0x4880] =	vst v63  }
0xb0: {  	s21 =	rddreg [dreg:$0xc];
	s24 =	spop (v2sf)  }
0xb1: {  	(v2sf) =	vpush v0, $0xE;
	[tilespmem:s21], [sflag:$0x1] =	stream.linear.gather [hbm4b:s22+s3], $0x400, $0x38;
	[tilespmem:$0x4880] =	vst v63  }
0xb2: {  	s23 =	rddreg [dreg:$0xd];
	s26 =	spop (v2sf)  }
0xb3: {  	(v2sf) =	vpush v0, $0xF;
	[tilespmem:s23], [sflag:$0x1] =	stream.linear.gather [hbm4b:s24+s3], $0x400, $0x38;
	[tilespmem:$0x4880] =	vst v63  }
0xb4: {  	s25 =	rddreg [dreg:$0xe];
	s19 =	sand.u32 $0x1FFFFF80, s19;
	s29 =	spop (v2sf)  }
0xb5: {  	[tilespmem:s25], [sflag:$0x1] =	stream.linear.gather [hbm4b:s26+s3], $0x400, $0x38;
	[tilespmem:$0x4880] =	vst v63  }
0xb6: {  	s28 =	rddreg [dreg:$0xf];
	s19 =	sadd.s32 s2, s19;
	s31 =	spop (v2sf)  }
0xb7: {  	[tilespmem:s28], [sflag:$0x1] =	stream.linear.gather [hbm4b:s29+s3], $0x400, $0x38;
	[tilespmem:$0x4880] =	vst v63  }
0xb8: {  	s30 =	rddreg [dreg:$0x10];
	s20 =	sand.u32 $0x1FFFFF80, s31;
	s21 =	spop (v2sf)  }
0xb9: {  	[tilespmem:s30], [sflag:$0x1] =	stream.linear.gather [hbm4b:s19+s3], $0x400, $0x38;
	[tilespmem:$0x4880] =	vst v63  }
0xba: {  	s22 =	sadd.s32 s2, s20;
	s23 =	sand.u32 $0x1FFFFF80, s21;
	s24 =	spop (v2sf)  }
0xbb: {  	[tilespmem:s16], [sflag:$0x1] =	stream.linear.gather [hbm4b:s22+s3], $0x400, $0x38;
	[tilespmem:$0x4880] =	vst v63  }
0xbc: {  	s25 =	sadd.s32 s2, s23;
	s26 =	sand.u32 $0x1FFFFF80, s24;
	s28 =	spop (v2sf)  }
0xbd: {  	[tilespmem:s14], [sflag:$0x1] =	stream.linear.gather [hbm4b:s25+s3], $0x400, $0x38;
	[tilespmem:$0x4880] =	vst v63  }
0xbe: {  	s29 =	sadd.s32 s2, s26;
	s30 =	sand.u32 $0x1FFFFF80, s28;
	s31 =	spop (v2sf)  }
0xbf: {  	[tilespmem:s13], [sflag:$0x1] =	stream.linear.gather [hbm4b:s29+s3], $0x400, $0x38;
	[tilespmem:$0x4880] =	vst v63  }
0xc0: {  	s17 =	sadd.s32 s2, s30;
	s18 =	sand.u32 $0x1FFFFF80, s31;
	s19 =	spop (v2sf)  }
0xc1: {  	[tilespmem:s12], [sflag:$0x1] =	stream.linear.gather [hbm4b:s17+s3], $0x400, $0x38;
	[tilespmem:$0x4880] =	vst v63  }
0xc2: {  	s20 =	sadd.s32 s2, s18;
	s21 =	sand.u32 $0x1FFFFF80, s19;
	s22 =	spop (v2sf)  }
0xc3: {  	[tilespmem:s11], [sflag:$0x1] =	stream.linear.gather [hbm4b:s20+s3], $0x400, $0x38;
	[tilespmem:$0x4880] =	vst v63  }
0xc4: {  	s10 =	rddreg [dreg:$0x16];
	s23 =	sadd.s32 s2, s21;
	s24 =	sand.u32 $0x1FFFFF80, s22  }
0xc5: {  	[tilespmem:s10], [sflag:$0x1] =	stream.linear.gather [hbm4b:s23+s3], $0x400, $0x38;
	[tilespmem:$0x4880] =	vst v63  }
0xc6: {  	s25 =	rddreg [dreg:$0x17];
	s26 =	sadd.s32 s2, s24  }
0xc7: {  	[tilespmem:s25], [sflag:$0x1] =	stream.linear.gather [hbm4b:s26+s3], $0x400, $0x38;
	[tilespmem:$0x4880] =	vst v63  }
0xc8: {  	_ =	swait.ge [sflag:s7], $0x400  }
0xc9: {  	[sflag:s7] =	ssyncset.done $0x0  }
0xca: {  	[sflag:s7] =	ssyncadd.s32 $0xFFFFFC00  }
0xcb: {  	_ =	swait.ge [sflag:s7], $0x400  }
0xcc: {  	[sflag:s7] =	ssyncset.done $0x0  }
0xcd: {  	[sflag:s7] =	ssyncadd.s32 $0xFFFFFC00  }
0xce: {  	_ =	swait.ge [sflag:s7], $0x400  }
0xcf: {  	[sflag:s7] =	ssyncset.done $0x0  }
0xd0: {  	[sflag:s7] =	ssyncadd.s32 $0xFFFFFC00  }
0xd1: {  	_ =	swait.ge [sflag:s7], $0x400  }
0xd2: {  	[sflag:s7] =	ssyncset.done $0x0  }
0xd3: {  	[sflag:s7] =	ssyncadd.s32 $0xFFFFFC00  }
0xd4: {  	_ =	swait.ge [sflag:s7], $0x400  }
0xd5: {  	[sflag:s7] =	ssyncset.done $0x0  }
0xd6: {  	[sflag:s7] =	ssyncadd.s32 $0xFFFFFC00  }
0xd7: {  	_ =	swait.ge [sflag:s7], $0x400  }
0xd8: {  	[sflag:s7] =	ssyncset.done $0x0  }
0xd9: {  	[sflag:s7] =	ssyncadd.s32 $0xFFFFFC00  }
0xda: {  	_ =	swait.ge [sflag:s7], $0x400  }
0xdb: {  	[sflag:s7] =	ssyncset.done $0x0  }
0xdc: {  	[sflag:s7] =	ssyncadd.s32 $0xFFFFFC00  }
0xdd: {  	_ =	swait.ge [sflag:s7], $0x400  }
0xde: {  	[sflag:s7] =	ssyncset.done $0x0  }
0xdf: {  	[sflag:s7] =	ssyncadd.s32 $0xFFFFFC00  }
0xe0: {  	_ =	swait.ge [sflag:s7], $0x400  }
0xe1: {  	[sflag:s7] =	ssyncset.done $0x0  }
0xe2: {  	[sflag:s7] =	ssyncadd.s32 $0xFFFFFC00  }
0xe3: {  	_ =	swait.ge [sflag:s7], $0x400  }
0xe4: {  	[sflag:s7] =	ssyncset.done $0x0  }
0xe5: {  	[sflag:s7] =	ssyncadd.s32 $0xFFFFFC00  }
0xe6: {  	_ =	swait.ge [sflag:s7], $0x400  }
0xe7: {  	[sflag:s7] =	ssyncset.done $0x0  }
0xe8: {  	[sflag:s7] =	ssyncadd.s32 $0xFFFFFC00  }
0xe9: {  	_ =	swait.ge [sflag:s7], $0x400  }
0xea: {  	[sflag:s7] =	ssyncset.done $0x0  }
0xeb: {  	[sflag:s7] =	ssyncadd.s32 $0xFFFFFC00  }
0xec: {  	_ =	swait.ge [sflag:s7], $0x400  }
0xed: {  	[sflag:s7] =	ssyncset.done $0x0  }
0xee: {  	[sflag:s7] =	ssyncadd.s32 $0xFFFFFC00  }
0xef: {  	_ =	swait.ge [sflag:s7], $0x400  }
0xf0: {  	[sflag:s7] =	ssyncset.done $0x0  }
0xf1: {  	[sflag:s7] =	ssyncadd.s32 $0xFFFFFC00  }
0xf2: {  	_ =	swait.ge [sflag:s7], $0x400  }
0xf3: {  	[sflag:s7] =	ssyncset.done $0x0  }
0xf4: {  	[sflag:s7] =	ssyncadd.s32 $0xFFFFFC00  }
0xf5: {  	_ =	swait.ge [sflag:s7], $0x400  }
0xf6: {  	[sflag:s7] =	ssyncset.done $0x0  }
0xf7: {  	s28 =	rddreg [dreg:$0x5];
	[sflag:s7] =	ssyncadd.s32 $0xFFFFFC00  }
0xf8: {  	[hbm4b:s28+s3] =	stream.linear.scatter [tilespmem:s6], [sflag:$0x2], $0x4000, $0x38;
	[tilespmem:$0x4880] =	vst v63  }
0xf9: {  	_ =	swait.ge [sflag:s5], $0x4000  }
0xfa: {  	s29 =	rddreg [dreg:$0x6]  }
0xfb: {  	p0 =	sne.s32 s9, $0x1;
	[sflag:s5] =	ssyncset.done $0x0;
	s30 =	rddreg [dreg:$0x19]  }
.Ltmp2:
0xfc: {  	s31 =	rddreg [dreg:$0x18];
	[sflag:s5] =	ssyncadd.s32 $0xFFFFC000;
	(pc) =	sbr.rel @p0 .LBB2_2-.Ltmp2, $4  }
0xfd: {  	[tilespmem:s8], [sflag:$0x2] =	stream.strided.gather [hbm4b:s29+s31], $0x800, s30, s31, $0x38;
	[tilespmem:$0x4880] =	vst v63  }
0xfe: {  	_ =	swait.ge [sflag:s5], $0x800  }
0xff: {  	[sflag:s5] =	ssyncset.done $0x0  }
0x100: {  	s9 =	sadd.s32 $0xFFFFFFFF, s9;
	s10 =	rddreg [dreg:$0x7];
	[sflag:s5] =	ssyncadd.s32 $0xFFFFF800  }
.LBB2_3:
0x101: {  	[hbm4b:s10+s3] =	stream.linear.scatter [tilespmem:s8], [sflag:$0x2], $0x800, $0x38;
	[tilespmem:$0x4880] =	vst v63  }
0x102: {  	_ =	swait.ge [sflag:s5], $0x800  }
0x103: {  	[sflag:s5] =	ssyncset.done $0x0  }
0x104: {  	[sflag:s5] =	ssyncadd.s32 $0xFFFFF800  }
.LBB2_4:
0x105: {  	_ =	sfence.sel $0x180000  }
0x106: {  	[bflag:$0x0] =	sbarrier.arrive $0xFFFF  }
0x107: {  	p0 =	sne.s32 s1, $0x0;
	_ =	strace $0x90000047  }
0x108: {  	s0 =	sadd.s32 @!p0 $0x100000, s0;
	[bflag:$0x2] =	sbarrier.arrive $0xFFFF  }
0x109: {  	[sflag:s0] =	ssyncadd.tile.s32 @!p0 $0x1;
	_ =	shalt  }
.Lfunc_end2:
_tile_overlayer_lowered:
.L_overlay_start_2:
0x10a: {  	(tag) =	ssettag $0x2  }
0x10b: {  	s0 =	rddreg [dreg:$0x0];
	s2 =	stileid.u32  }
0x10c: {  	s1 =	rddreg [dreg:$0x1];
	p0 =	sne.s32 s2, $0x0  }
0x10d: {  	s3 =	rddreg [dreg:$0x2];
	[bflag:$0x3] =	sbarrier.arrive $0xFFFF;
	s2 =	simm.s32 @!p0 $0x1C02  }
0x10e: {  	[timem:s3], [sflag:s2] =	dma.local @!p0 [hbm:s0], s1  }
0x10f: {  	s0 =	simm.s32 @!p0 $0x2  }
0x110: {  	_ =	swait.ge @!p0 [sflag:s0], s1  }
0x111: {  	s1 =	ssub.s32 @!p0 $0x0, s1;
	[sflag:s0] =	ssyncset.done @!p0 $0x0  }
0x112: {  	[sflag:s0] =	ssyncadd.s32 @!p0 s1  }
0x113: {  	[bflag:$0x3] =	sbarrier.arrive $0xFFFF  }
0x114: {  	_ =	shalt  }

</sc_bundles>
